<compile_context>
chip_gen: v7x
topology: tpu7x:2x2x1
jax: 0.10.2.dev20260603
libtpu: 0.0.44.dev20260713+nightly
codegen_flags: <defaults>
</compile_context>

<pallas_src>
import functools

import jax
import jax.numpy as jnp
from jax import lax
from jax.experimental import pallas as pl
from jax.experimental.pallas import tpu as pltpu
from jax.experimental.pallas import tpu_sc as plsc

N_NODES_K = 10000
N_EDGES_K = 320000
D_FEAT_K = 128
NUM_TILES = 32
F_PER_TILE = D_FEAT_K // NUM_TILES
LANES = 16

E_PAD = 327680
CH_A = 20000
CH_C = 10000

_SC_MESH = dict(core_axis_name="c", subcore_axis_name="s")
_SC_PARAMS = pltpu.CompilerParams(needs_layout_passes=False)


def _tile_id():
    return lax.axis_index("s") * 2 + lax.axis_index("c")


def _sign0(wid):
    s = jnp.where(wid == 0, jnp.float32(-1.0), jnp.float32(1.0))
    return lax.broadcast_in_dim(s, (LANES,), ())


def _unpack_uv(pp):
    uu = lax.shift_right_logical(pp, 14)
    vv = pp & jnp.int32(16383)
    return uu, vv


def _inner_products(xt, pack):
    mesh = plsc.VectorSubcoreMesh(**_SC_MESH)

    @functools.partial(
        pl.kernel,
        out_type=jax.ShapeDtypeStruct((NUM_TILES * E_PAD,), jnp.float32),
        mesh=mesh,
        scratch_types=[
            pltpu.VMEM((F_PER_TILE, N_NODES_K), jnp.float32),
            pltpu.VMEM((CH_A,), jnp.int32),
            pltpu.VMEM((CH_A,), jnp.int32),
            pltpu.VMEM((CH_A,), jnp.float32),
            pltpu.SemaphoreType.DMA,
            pltpu.SemaphoreType.DMA,
        ],
        compiler_params=_SC_PARAMS,
    )
    def k(pk_hbm, xt_hbm, out_hbm, xc, pb0, pb1, part, s0, s1):
        wid = _tile_id()
        pltpu.sync_copy(xt_hbm.at[pl.ds(wid * F_PER_TILE, F_PER_TILE)], xc)
        sgn0 = _sign0(wid)
        f_idx = [jnp.full((LANES,), f, jnp.int32) for f in range(F_PER_TILE)]
        n_ch = N_EDGES_K // CH_A

        def cp(ci, pb, sem):
            return pltpu.make_async_copy(pk_hbm.at[pl.ds(ci * CH_A, CH_A)],
                                         pb, sem)

        def do_chunk(ci, pb):
            @plsc.parallel_loop(0, CH_A // LANES, unroll=4)
            def _grp(g):
                uu, vv = _unpack_uv(pb[pl.ds(g * LANES, LANES)])
                cu = plsc.load_gather(xc, [f_idx[0], uu])
                cv = plsc.load_gather(xc, [f_idx[0], vv])
                acc = cu * cv * sgn0
                for f in range(1, F_PER_TILE):
                    cu = plsc.load_gather(xc, [f_idx[f], uu])
                    cv = plsc.load_gather(xc, [f_idx[f], vv])
                    acc = acc + cu * cv
                part[pl.ds(g * LANES, LANES)] = acc

            pltpu.sync_copy(part,
                            out_hbm.at[pl.ds(wid * E_PAD + ci * CH_A, CH_A)])

        cp(0, pb0, s0).start()

        @pl.loop(0, n_ch // 2)
        def _pair(p):
            ci0 = p * 2
            cp(ci0 + 1, pb1, s1).start()
            cp(ci0, pb0, s0).wait()
            do_chunk(ci0, pb0)

            @pl.when(p + 1 < n_ch // 2)
            def _():
                cp(ci0 + 2, pb0, s0).start()

            cp(ci0 + 1, pb1, s1).wait()
            do_chunk(ci0 + 1, pb1)

    return k(pack, xt)


def _factor_energy(innerp_flat):
    blk = 40960
    nblk = E_PAD // blk

    def body(*refs):
        ip_refs = refs[:NUM_TILES]
        f_ref, e_ref = refs[NUM_TILES:]
        i = pl.program_id(0)
        inner = ip_refs[0][...]
        for t in range(1, NUM_TILES):
            inner = inner + ip_refs[t][...]
        a = jnp.maximum(-inner, jnp.float32(1.0 + 1e-7))
        s = jnp.sqrt(a * a - 1.0)
        dist = jnp.log(a + s)
        e = jnp.where(dist > 10.0, dist - 0.69314718, jnp.log(a))
        valid = i * blk + lax.iota(jnp.int32, blk) < N_EDGES_K
        f_ref[...] = jnp.where(valid, -(s / a) / (s + 1e-9), 0.0)

        @pl.when(i == 0)
        def _():
            e_ref[...] = jnp.zeros_like(e_ref)

        e_ref[...] = e_ref[...] + jnp.sum(jnp.where(valid, e, 0.0)).reshape(1)

    def idx_map(i, t=0):
        return (t * nblk + i,)

    return pl.pallas_call(
        body,
        grid=(nblk,),
        in_specs=[pl.BlockSpec((blk,), functools.partial(idx_map, t=t))
                  for t in range(NUM_TILES)],
        out_specs=[
            pl.BlockSpec((blk,), lambda i: (i,)),
            pl.BlockSpec((1,), lambda i: (0,)),
        ],
        out_shape=[
            jax.ShapeDtypeStruct((E_PAD,), jnp.float32),
            jax.ShapeDtypeStruct((1,), jnp.float32),
        ],
    )(*([innerp_flat] * NUM_TILES))


def _scatter_grad(xt, pack, factor):
    mesh = plsc.VectorSubcoreMesh(**_SC_MESH)

    @functools.partial(
        pl.kernel,
        out_type=jax.ShapeDtypeStruct((D_FEAT_K, N_NODES_K), jnp.float32),
        mesh=mesh,
        scratch_types=[
            pltpu.VMEM((F_PER_TILE, N_NODES_K), jnp.float32),
            pltpu.VMEM((F_PER_TILE, N_NODES_K), jnp.float32),
            pltpu.VMEM((CH_C,), jnp.int32),
            pltpu.VMEM((CH_C,), jnp.float32),
            pltpu.VMEM((CH_C,), jnp.int32),
            pltpu.VMEM((CH_C,), jnp.float32),
            pltpu.SemaphoreType.DMA,
            pltpu.SemaphoreType.DMA,
        ],
        compiler_params=_SC_PARAMS,
    )
    def k(pk_hbm, xt_hbm, fac_hbm, out_hbm,
          xc, gc, pb0, fb0, pb1, fb1, s0, s1):
        wid = _tile_id()
        pltpu.sync_copy(xt_hbm.at[pl.ds(wid * F_PER_TILE, F_PER_TILE)], xc)
        sgn0 = _sign0(wid)
        f_idx = [jnp.full((LANES,), f, jnp.int32) for f in range(F_PER_TILE)]
        z = jnp.zeros((LANES,), jnp.float32)
        n_ch = N_EDGES_K // CH_C

        def cps(ci, pb, fb, sem):
            base = ci * CH_C
            return (pltpu.make_async_copy(pk_hbm.at[pl.ds(base, CH_C)], pb, sem),
                    pltpu.make_async_copy(fac_hbm.at[pl.ds(base, CH_C)], fb, sem))

        def do_chunk(pb, fb):
            @plsc.parallel_loop(0, CH_C // LANES, unroll=2)
            def _grp(g):
                uu, vv = _unpack_uv(pb[pl.ds(g * LANES, LANES)])
                ff = fb[pl.ds(g * LANES, LANES)]
                fj = ff * sgn0
                cu = plsc.load_gather(xc, [f_idx[0], uu])
                cv = plsc.load_gather(xc, [f_idx[0], vv])
                plsc.addupdate_scatter(gc, [f_idx[0], vv], fj * cu)
                plsc.addupdate_scatter(gc, [f_idx[0], uu], fj * cv)
                for f in range(1, F_PER_TILE):
                    cu = plsc.load_gather(xc, [f_idx[f], uu])
                    cv = plsc.load_gather(xc, [f_idx[f], vv])
                    plsc.addupdate_scatter(gc, [f_idx[f], vv], ff * cu)
                    plsc.addupdate_scatter(gc, [f_idx[f], uu], ff * cv)

        for c in cps(0, pb0, fb0, s0):
            c.start()

        for f in range(F_PER_TILE):
            @pl.loop(0, N_NODES_K // LANES)
            def _zero(i, f=f):
                gc[f, pl.ds(i * LANES, LANES)] = z

        @pl.loop(0, n_ch // 2)
        def _pair(p):
            ci0 = p * 2
            for c in cps(ci0 + 1, pb1, fb1, s1):
                c.start()
            for c in cps(ci0, pb0, fb0, s0):
                c.wait()
            do_chunk(pb0, fb0)

            @pl.when(p + 1 < n_ch // 2)
            def _():
                for c in cps(ci0 + 2, pb0, fb0, s0):
                    c.start()

            for c in cps(ci0 + 1, pb1, fb1, s1):
                c.wait()
            do_chunk(pb1, fb1)

        pltpu.sync_copy(gc, out_hbm.at[pl.ds(wid * F_PER_TILE, F_PER_TILE)])

    return k(pack, xt, factor)


def kernel(x, edges):
    pack = edges[:, 0] * 16384 + edges[:, 1]
    xt = x.T

    innerp_flat = _inner_products(xt, pack)
    factor, energy = _factor_energy(innerp_flat)
    gradt = _scatter_grad(xt, pack, factor)
    return energy[0], gradt.T

# --- scband reference (transcript-rebuilt; emitter-appended) ---
"""Pipeline reference for scband-robust-spring-potential-81509889343863 (READ-ONLY COPY).

The authoritative reference and input builder live on the scoring server;
editing this copy changes nothing except your own understanding.
"""

import jax, jax.numpy as jnp
import numpy as np

N_NODES = 10000
N_EDGES = 320000
D_FEAT = 128
K_SPRING = 1.0
L0 = 0.0
DELTA = 1.0


def setup_inputs(seed: int = 0) -> dict:
    key = jax.random.key(seed)
    k1, k2 = jax.random.split(key)
    x = jax.random.normal(k1, (N_NODES, D_FEAT), dtype=jnp.float32)
    edges = jax.random.randint(k2, (N_EDGES, 2), 0, N_NODES, dtype=jnp.int32)
    return {"x": x, "edges": edges}


def reference(x, edges):
    u_idx = edges[:, 0]
    v_idx = edges[:, 1]
    xu = x[u_idx]
    xv = x[v_idx]
    J = jnp.ones(x.shape[-1], dtype=x.dtype).at[0].set(-1.0)
    inner = (xu * xv * J).sum(axis=-1)
    inner = jnp.minimum(inner, -1.0 - 1e-07)  # torch.clamp(max=...)
    dist = jnp.arccosh(-inner)
    diff = dist - L0
    scaled_diff = diff / DELTA
    abs_scaled = jnp.abs(scaled_diff)
    mask_large = abs_scaled > 10.0
    scaled_safe = jnp.where(mask_large, 0.0, scaled_diff)
    logcosh = jnp.where(mask_large, abs_scaled - 0.69314718, jnp.log(jnp.cosh(scaled_safe)))
    energy_vec = K_SPRING * (DELTA ** 2) * logcosh
    total_energy = energy_vec.sum()
    force_mag = K_SPRING * DELTA * jnp.tanh(scaled_diff)
    denom = jnp.sqrt(inner ** 2 - 1.0)
    factor = -(force_mag / (denom + 1e-09))[:, None]
    grad_u = factor * (xv * J)
    grad_v = factor * (xu * J)
    grad = jnp.zeros_like(x).at[u_idx].add(grad_u).at[v_idx].add(grad_v)
    return (total_energy, grad)

if __name__ == "__main__":
    import jax
    _d = setup_inputs()
    print(jax.jit(kernel)(*tuple(_d.values())))

</pallas_src>

<mosaic_0001>
#map = affine_map<(d0, d1) -> (0)>
#map1 = affine_map<(d0, d1) -> (0, 0)>
module attributes {stable_mosaic.version = 14 : i64} {
  func.func @k(%arg0: i32, %arg1: i32, %arg2: memref<320000xi32, #tpu.memory_space<hbm>>, %arg3: memref<128x10000xf32, #tpu.memory_space<hbm>>, %arg4: memref<327680xf32, #tpu.memory_space<hbm>>, %arg5: memref<128x10000xf32, #tpu.memory_space<hbm>>, %arg6: memref<4x10000xf32, #tpu.memory_space<vmem>>, %arg7: memref<4x10000xf32, #tpu.memory_space<vmem>>, %arg8: memref<10000xi32, #tpu.memory_space<vmem>>, %arg9: memref<10000xf32, #tpu.memory_space<vmem>>, %arg10: memref<10000xi32, #tpu.memory_space<vmem>>, %arg11: memref<10000xf32, #tpu.memory_space<vmem>>, %arg12: memref<!tpu.dma_semaphore, #tpu.memory_space<semaphore_mem>>, %arg13: memref<!tpu.dma_semaphore, #tpu.memory_space<semaphore_mem>>) attributes {dimension_semantics = [#tpu.dimension_semantics<core_parallel>, #tpu.dimension_semantics<subcore_parallel>], iteration_bounds = array<i64: 2, 16>, scalar_prefetch = 0 : i64, scratch_operands = 8 : i64, tpu.core_type = #tpu.core_type<sc_vector_subcore>, window_params = [{transform_indices = #map}, {transform_indices = #map1}, {transform_indices = #map}, {transform_indices = #map1}]} {
    %mul3A = arith.constant 2 : i32
    %mul3A_0 = arith.muli %arg1, %mul3A : i32
    %add3A = arith.addi %mul3A_0, %arg0 : i32
    %mul3A_1 = arith.constant 4 : i32
    %mul3A_2 = arith.muli %add3A, %mul3A_1 : i32
    "tpu.region"() ({
      %run_scoped3A = tpu.sem_alloc : memref<!tpu.dma_semaphore, #tpu.memory_space<semaphore_mem>>
      %dma_start3A_48 = arith.constant 0 : i32
      %dma_start3A_49 = tpu.memref_slice %arg3[%mul3A_2, %dma_start3A_48] : memref<128x10000xf32, #tpu.memory_space<hbm>> -> memref<4x10000xf32, #tpu.memory_space<hbm>>
      %dma_start3A_50 = arith.constant 0 : i32
      %dma_start3A_51 = tpu.memref_slice %arg3[%mul3A_2, %dma_start3A_50] : memref<128x10000xf32, #tpu.memory_space<hbm>> -> memref<4x10000xf32, #tpu.memory_space<hbm>>
      tpu.enqueue_dma source(%dma_start3A_51 : memref<4x10000xf32, #tpu.memory_space<hbm>>) target(%arg6 : memref<4x10000xf32, #tpu.memory_space<vmem>>) target_semaphore(%run_scoped3A : memref<!tpu.dma_semaphore, #tpu.memory_space<semaphore_mem>>)
      %dma_wait3A = arith.constant 0 : i32
      %dma_wait3A_52 = tpu.memref_slice %arg3[%mul3A_2, %dma_wait3A] : memref<128x10000xf32, #tpu.memory_space<hbm>> -> memref<4x10000xf32, #tpu.memory_space<hbm>>
      %dma_wait3A_53 = arith.constant 0 : i32
      %dma_wait3A_54 = tpu.memref_slice %arg3[%mul3A_2, %dma_wait3A_53] : memref<128x10000xf32, #tpu.memory_space<hbm>> -> memref<4x10000xf32, #tpu.memory_space<hbm>>
      tpu.wait_dma2 semaphore(%run_scoped3A : memref<!tpu.dma_semaphore, #tpu.memory_space<semaphore_mem>>) src(%dma_wait3A_54 : memref<4x10000xf32, #tpu.memory_space<hbm>>) dst(%arg6 : memref<4x10000xf32, #tpu.memory_space<vmem>>)
      tpu.yield
    }) : () -> ()
    %eq3A = arith.constant 0 : i32
    %eq3A_3 = arith.cmpi eq, %add3A, %eq3A : i32
    %jit3A = arith.constant -1.000000e+00 : f32
    %jit3A_4 = arith.constant 1.000000e+00 : f32
    %select_n3A = arith.select %eq3A_3, %jit3A, %jit3A_4 : f32
    %broadcast_in_dim3A = vector.broadcast %select_n3A : f32 to vector<16xf32>
    %broadcast_in_dim3A_5 = arith.constant 0 : i32
    %broadcast_in_dim3A_6 = vector.broadcast %broadcast_in_dim3A_5 : i32 to vector<16xi32>
    %broadcast_in_dim3A_7 = arith.constant 1 : i32
    %broadcast_in_dim3A_8 = vector.broadcast %broadcast_in_dim3A_7 : i32 to vector<16xi32>
    %broadcast_in_dim3A_9 = arith.constant 2 : i32
    %broadcast_in_dim3A_10 = vector.broadcast %broadcast_in_dim3A_9 : i32 to vector<16xi32>
    %broadcast_in_dim3A_11 = arith.constant 3 : i32
    %broadcast_in_dim3A_12 = vector.broadcast %broadcast_in_dim3A_11 : i32 to vector<16xi32>
    %broadcast_in_dim3A_13 = arith.constant 0.000000e+00 : f32
    %broadcast_in_dim3A_14 = vector.broadcast %broadcast_in_dim3A_13 : f32 to vector<16xf32>
    %dma_start3A = arith.constant 0 : i32
    %dma_start3A_15 = tpu.memref_slice %arg2[%dma_start3A] : memref<320000xi32, #tpu.memory_space<hbm>> -> memref<10000xi32, #tpu.memory_space<hbm>>
    %dma_start3A_16 = arith.constant 0 : i32
    %dma_start3A_17 = tpu.memref_slice %arg2[%dma_start3A_16] : memref<320000xi32, #tpu.memory_space<hbm>> -> memref<10000xi32, #tpu.memory_space<hbm>>
    tpu.enqueue_dma source(%dma_start3A_17 : memref<10000xi32, #tpu.memory_space<hbm>>) target(%arg8 : memref<10000xi32, #tpu.memory_space<vmem>>) target_semaphore(%arg12 : memref<!tpu.dma_semaphore, #tpu.memory_space<semaphore_mem>>)
    %dma_start3A_18 = arith.constant 0 : i32
    %dma_start3A_19 = tpu.memref_slice %arg4[%dma_start3A_18] : memref<327680xf32, #tpu.memory_space<hbm>> -> memref<10000xf32, #tpu.memory_space<hbm>>
    %dma_start3A_20 = arith.constant 0 : i32
    %dma_start3A_21 = tpu.memref_slice %arg4[%dma_start3A_20] : memref<327680xf32, #tpu.memory_space<hbm>> -> memref<10000xf32, #tpu.memory_space<hbm>>
    tpu.enqueue_dma source(%dma_start3A_21 : memref<10000xf32, #tpu.memory_space<hbm>>) target(%arg9 : memref<10000xf32, #tpu.memory_space<vmem>>) target_semaphore(%arg12 : memref<!tpu.dma_semaphore, #tpu.memory_space<semaphore_mem>>)
    %scan3A = arith.constant 0 : i32
    %scan3A_22 = arith.constant 625 : i32
    %scan3A_23 = arith.addi %scan3A, %scan3A_22 : i32
    %scan3A_24 = arith.constant 1 : i32
    scf.for %scan3A_48 = %scan3A to %scan3A_23 step %scan3A_24  : i32 {
      %mul3A_49 = arith.constant 1 : i32
      %mul3A_50 = arith.muli %scan3A_48, %mul3A_49 : i32
      %add3A_51 = arith.constant 0 : i32
      %add3A_52 = arith.addi %add3A_51, %mul3A_50 : i32
      %mul3A_53 = arith.constant 16 : i32
      %mul3A_54 = arith.muli %add3A_52, %mul3A_53 : i32
      %swap3A = arith.constant 0 : i32
      %swap3A_55 = arith.index_cast %swap3A : i32 to index
      %swap3A_56 = arith.index_cast %mul3A_54 : i32 to index
      %swap3A_57 = tpu.vector_load %arg7[%swap3A_55, %swap3A_56] {strides = array<i32>} : memref<4x10000xf32, #tpu.memory_space<vmem>>, vector<16xf32>,
      tpu.vector_store %arg7[%swap3A_55, %swap3A_56], %broadcast_in_dim3A_14 {strides = array<i32>} : memref<4x10000xf32, #tpu.memory_space<vmem>>, vector<16xf32>,
    }
    %scan3A_25 = arith.constant 625 : i32
    %scan3A_26 = arith.constant 0 : i32
    %scan3A_27 = arith.constant 625 : i32
    %scan3A_28 = arith.addi %scan3A_26, %scan3A_27 : i32
    %scan3A_29 = arith.constant 1 : i32
    scf.for %scan3A_48 = %scan3A_26 to %scan3A_28 step %scan3A_29  : i32 {
      %mul3A_49 = arith.constant 1 : i32
      %mul3A_50 = arith.muli %scan3A_48, %mul3A_49 : i32
      %add3A_51 = arith.constant 0 : i32
      %add3A_52 = arith.addi %add3A_51, %mul3A_50 : i32
      %mul3A_53 = arith.constant 16 : i32
      %mul3A_54 = arith.muli %add3A_52, %mul3A_53 : i32
      %swap3A = arith.constant 1 : i32
      %swap3A_55 = arith.index_cast %swap3A : i32 to index
      %swap3A_56 = arith.index_cast %mul3A_54 : i32 to index
      %swap3A_57 = tpu.vector_load %arg7[%swap3A_55, %swap3A_56] {strides = array<i32>} : memref<4x10000xf32, #tpu.memory_space<vmem>>, vector<16xf32>,
      tpu.vector_store %arg7[%swap3A_55, %swap3A_56], %broadcast_in_dim3A_14 {strides = array<i32>} : memref<4x10000xf32, #tpu.memory_space<vmem>>, vector<16xf32>,
    }
    %scan3A_30 = arith.constant 625 : i32
    %scan3A_31 = arith.constant 0 : i32
    %scan3A_32 = arith.constant 625 : i32
    %scan3A_33 = arith.addi %scan3A_31, %scan3A_32 : i32
    %scan3A_34 = arith.constant 1 : i32
    scf.for %scan3A_48 = %scan3A_31 to %scan3A_33 step %scan3A_34  : i32 {
      %mul3A_49 = arith.constant 1 : i32
      %mul3A_50 = arith.muli %scan3A_48, %mul3A_49 : i32
      %add3A_51 = arith.constant 0 : i32
      %add3A_52 = arith.addi %add3A_51, %mul3A_50 : i32
      %mul3A_53 = arith.constant 16 : i32
      %mul3A_54 = arith.muli %add3A_52, %mul3A_53 : i32
      %swap3A = arith.constant 2 : i32
      %swap3A_55 = arith.index_cast %swap3A : i32 to index
      %swap3A_56 = arith.index_cast %mul3A_54 : i32 to index
      %swap3A_57 = tpu.vector_load %arg7[%swap3A_55, %swap3A_56] {strides = array<i32>} : memref<4x10000xf32, #tpu.memory_space<vmem>>, vector<16xf32>,
      tpu.vector_store %arg7[%swap3A_55, %swap3A_56], %broadcast_in_dim3A_14 {strides = array<i32>} : memref<4x10000xf32, #tpu.memory_space<vmem>>, vector<16xf32>,
    }
    %scan3A_35 = arith.constant 625 : i32
    %scan3A_36 = arith.constant 0 : i32
    %scan3A_37 = arith.constant 625 : i32
    %scan3A_38 = arith.addi %scan3A_36, %scan3A_37 : i32
    %scan3A_39 = arith.constant 1 : i32
    scf.for %scan3A_48 = %scan3A_36 to %scan3A_38 step %scan3A_39  : i32 {
      %mul3A_49 = arith.constant 1 : i32
      %mul3A_50 = arith.muli %scan3A_48, %mul3A_49 : i32
      %add3A_51 = arith.constant 0 : i32
      %add3A_52 = arith.addi %add3A_51, %mul3A_50 : i32
      %mul3A_53 = arith.constant 16 : i32
      %mul3A_54 = arith.muli %add3A_52, %mul3A_53 : i32
      %swap3A = arith.constant 3 : i32
      %swap3A_55 = arith.index_cast %swap3A : i32 to index
      %swap3A_56 = arith.index_cast %mul3A_54 : i32 to index
      %swap3A_57 = tpu.vector_load %arg7[%swap3A_55, %swap3A_56] {strides = array<i32>} : memref<4x10000xf32, #tpu.memory_space<vmem>>, vector<16xf32>,
      tpu.vector_store %arg7[%swap3A_55, %swap3A_56], %broadcast_in_dim3A_14 {strides = array<i32>} : memref<4x10000xf32, #tpu.memory_space<vmem>>, vector<16xf32>,
    }
    %scan3A_40 = arith.constant 625 : i32
    %scan3A_41 = arith.constant 0 : i32
    %scan3A_42 = arith.constant 16 : i32
    %scan3A_43 = arith.addi %scan3A_41, %scan3A_42 : i32
    %scan3A_44 = arith.constant 1 : i32
    scf.for %scan3A_48 = %scan3A_41 to %scan3A_43 step %scan3A_44  : i32 {
      %mul3A_49 = arith.constant 1 : i32
      %mul3A_50 = arith.muli %scan3A_48, %mul3A_49 : i32
      %add3A_51 = arith.constant 0 : i32
      %add3A_52 = arith.addi %add3A_51, %mul3A_50 : i32
      %mul3A_53 = arith.constant 2 : i32
      %mul3A_54 = arith.muli %add3A_52, %mul3A_53 : i32
      %add3A_55 = arith.constant 1 : i32
      %add3A_56 = arith.addi %mul3A_54, %add3A_55 : i32
      %mul3A_57 = arith.constant 10000 : i32
      %mul3A_58 = arith.muli %add3A_56, %mul3A_57 : i32
      %dma_start3A_59 = tpu.memref_slice %arg2[%mul3A_58] : memref<320000xi32, #tpu.memory_space<hbm>> -> memref<10000xi32, #tpu.memory_space<hbm>>
      %dma_start3A_60 = tpu.memref_slice %arg2[%mul3A_58] : memref<320000xi32, #tpu.memory_space<hbm>> -> memref<10000xi32, #tpu.memory_space<hbm>>
      tpu.enqueue_dma source(%dma_start3A_60 : memref<10000xi32, #tpu.memory_space<hbm>>) target(%arg10 : memref<10000xi32, #tpu.memory_space<vmem>>) target_semaphore(%arg13 : memref<!tpu.dma_semaphore, #tpu.memory_space<semaphore_mem>>)
      %dma_start3A_61 = tpu.memref_slice %arg4[%mul3A_58] : memref<327680xf32, #tpu.memory_space<hbm>> -> memref<10000xf32, #tpu.memory_space<hbm>>
      %dma_start3A_62 = tpu.memref_slice %arg4[%mul3A_58] : memref<327680xf32, #tpu.memory_space<hbm>> -> memref<10000xf32, #tpu.memory_space<hbm>>
      tpu.enqueue_dma source(%dma_start3A_62 : memref<10000xf32, #tpu.memory_space<hbm>>) target(%arg11 : memref<10000xf32, #tpu.memory_space<vmem>>) target_semaphore(%arg13 : memref<!tpu.dma_semaphore, #tpu.memory_space<semaphore_mem>>)
      %mul3A_63 = arith.constant 10000 : i32
      %mul3A_64 = arith.muli %mul3A_54, %mul3A_63 : i32
      %dma_wait3A = tpu.memref_slice %arg2[%mul3A_64] : memref<320000xi32, #tpu.memory_space<hbm>> -> memref<10000xi32, #tpu.memory_space<hbm>>
      %dma_wait3A_65 = tpu.memref_slice %arg2[%mul3A_64] : memref<320000xi32, #tpu.memory_space<hbm>> -> memref<10000xi32, #tpu.memory_space<hbm>>
      tpu.wait_dma2 semaphore(%arg12 : memref<!tpu.dma_semaphore, #tpu.memory_space<semaphore_mem>>) src(%dma_wait3A_65 : memref<10000xi32, #tpu.memory_space<hbm>>) dst(%arg8 : memref<10000xi32, #tpu.memory_space<vmem>>)
      %dma_wait3A_66 = tpu.memref_slice %arg4[%mul3A_64] : memref<327680xf32, #tpu.memory_space<hbm>> -> memref<10000xf32, #tpu.memory_space<hbm>>
      %dma_wait3A_67 = tpu.memref_slice %arg4[%mul3A_64] : memref<327680xf32, #tpu.memory_space<hbm>> -> memref<10000xf32, #tpu.memory_space<hbm>>
      tpu.wait_dma2 semaphore(%arg12 : memref<!tpu.dma_semaphore, #tpu.memory_space<semaphore_mem>>) src(%dma_wait3A_67 : memref<10000xf32, #tpu.memory_space<hbm>>) dst(%arg9 : memref<10000xf32, #tpu.memory_space<vmem>>)
      %parallel_loop3A = arith.constant 0 : i32
      %parallel_loop3A_68 = arith.constant 625 : i32
      %parallel_loop3A_69 = arith.constant 1 : i32
      scf.for %parallel_loop3A_85 = %parallel_loop3A to %parallel_loop3A_68 step %parallel_loop3A_69  : i32 {
        %parallel_loop3A_86 = arith.constant 16 : i32
        %parallel_loop3A_87 = arith.muli %parallel_loop3A_85, %parallel_loop3A_86 : i32
        %parallel_loop3A_88 = arith.index_cast %parallel_loop3A_87 : i32 to index
        %parallel_loop3A_89 = tpu.vector_load %arg8[%parallel_loop3A_88] {strides = array<i32>} : memref<10000xi32, #tpu.memory_space<vmem>>, vector<16xi32>,
        %parallel_loop3A_90 = arith.constant 14 : i32
        %parallel_loop3A_91 = vector.broadcast %parallel_loop3A_90 : i32 to vector<16xi32>
        %parallel_loop3A_92 = arith.shrui %parallel_loop3A_89, %parallel_loop3A_91 : vector<16xi32>
        %parallel_loop3A_93 = arith.constant 16383 : i32
        %parallel_loop3A_94 = vector.broadcast %parallel_loop3A_93 : i32 to vector<16xi32>
        %parallel_loop3A_95 = arith.andi %parallel_loop3A_89, %parallel_loop3A_94 : vector<16xi32>
        %parallel_loop3A_96 = arith.constant 16 : i32
        %parallel_loop3A_97 = arith.muli %parallel_loop3A_85, %parallel_loop3A_96 : i32
        %parallel_loop3A_98 = arith.index_cast %parallel_loop3A_97 : i32 to index
        %parallel_loop3A_99 = tpu.vector_load %arg9[%parallel_loop3A_98] {strides = array<i32>} : memref<10000xf32, #tpu.memory_space<vmem>>, vector<16xf32>,
        %parallel_loop3A_100 = arith.mulf %parallel_loop3A_99, %broadcast_in_dim3A : vector<16xf32>
        %parallel_loop3A_101 = tpu.vector_load_idx %arg6[%broadcast_in_dim3A_6, %parallel_loop3A_92] : memref<4x10000xf32, #tpu.memory_space<vmem>>[vector<16xi32>, vector<16xi32>], vector<16xf32>,
        %parallel_loop3A_102 = tpu.vector_load_idx %arg6[%broadcast_in_dim3A_6, %parallel_loop3A_95] : memref<4x10000xf32, #tpu.memory_space<vmem>>[vector<16xi32>, vector<16xi32>], vector<16xf32>,
        %parallel_loop3A_103 = arith.mulf %parallel_loop3A_100, %parallel_loop3A_101 : vector<16xf32>
        tpu.vector_store_idx %arg7[%broadcast_in_dim3A_6, %parallel_loop3A_95], %parallel_loop3A_103 {add = true} : memref<4x10000xf32, #tpu.memory_space<vmem>>[vector<16xi32>, vector<16xi32>], vector<16xf32>,
        %parallel_loop3A_104 = arith.mulf %parallel_loop3A_100, %parallel_loop3A_102 : vector<16xf32>
        tpu.vector_store_idx %arg7[%broadcast_in_dim3A_6, %parallel_loop3A_92], %parallel_loop3A_104 {add = true} : memref<4x10000xf32, #tpu.memory_space<vmem>>[vector<16xi32>, vector<16xi32>], vector<16xf32>,
        %parallel_loop3A_105 = tpu.vector_load_idx %arg6[%broadcast_in_dim3A_8, %parallel_loop3A_92] : memref<4x10000xf32, #tpu.memory_space<vmem>>[vector<16xi32>, vector<16xi32>], vector<16xf32>,
        %parallel_loop3A_106 = tpu.vector_load_idx %arg6[%broadcast_in_dim3A_8, %parallel_loop3A_95] : memref<4x10000xf32, #tpu.memory_space<vmem>>[vector<16xi32>, vector<16xi32>], vector<16xf32>,
        %parallel_loop3A_107 = arith.mulf %parallel_loop3A_99, %parallel_loop3A_105 : vector<16xf32>
        tpu.vector_store_idx %arg7[%broadcast_in_dim3A_8, %parallel_loop3A_95], %parallel_loop3A_107 {add = true} : memref<4x10000xf32, #tpu.memory_space<vmem>>[vector<16xi32>, vector<16xi32>], vector<16xf32>,
        %parallel_loop3A_108 = arith.mulf %parallel_loop3A_99, %parallel_loop3A_106 : vector<16xf32>
        tpu.vector_store_idx %arg7[%broadcast_in_dim3A_8, %parallel_loop3A_92], %parallel_loop3A_108 {add = true} : memref<4x10000xf32, #tpu.memory_space<vmem>>[vector<16xi32>, vector<16xi32>], vector<16xf32>,
        %parallel_loop3A_109 = tpu.vector_load_idx %arg6[%broadcast_in_dim3A_10, %parallel_loop3A_92] : memref<4x10000xf32, #tpu.memory_space<vmem>>[vector<16xi32>, vector<16xi32>], vector<16xf32>,
        %parallel_loop3A_110 = tpu.vector_load_idx %arg6[%broadcast_in_dim3A_10, %parallel_loop3A_95] : memref<4x10000xf32, #tpu.memory_space<vmem>>[vector<16xi32>, vector<16xi32>], vector<16xf32>,
        %parallel_loop3A_111 = arith.mulf %parallel_loop3A_99, %parallel_loop3A_109 : vector<16xf32>
        tpu.vector_store_idx %arg7[%broadcast_in_dim3A_10, %parallel_loop3A_95], %parallel_loop3A_111 {add = true} : memref<4x10000xf32, #tpu.memory_space<vmem>>[vector<16xi32>, vector<16xi32>], vector<16xf32>,
        %parallel_loop3A_112 = arith.mulf %parallel_loop3A_99, %parallel_loop3A_110 : vector<16xf32>
        tpu.vector_store_idx %arg7[%broadcast_in_dim3A_10, %parallel_loop3A_92], %parallel_loop3A_112 {add = true} : memref<4x10000xf32, #tpu.memory_space<vmem>>[vector<16xi32>, vector<16xi32>], vector<16xf32>,
        %parallel_loop3A_113 = tpu.vector_load_idx %arg6[%broadcast_in_dim3A_12, %parallel_loop3A_92] : memref<4x10000xf32, #tpu.memory_space<vmem>>[vector<16xi32>, vector<16xi32>], vector<16xf32>,
        %parallel_loop3A_114 = tpu.vector_load_idx %arg6[%broadcast_in_dim3A_12, %parallel_loop3A_95] : memref<4x10000xf32, #tpu.memory_space<vmem>>[vector<16xi32>, vector<16xi32>], vector<16xf32>,
        %parallel_loop3A_115 = arith.mulf %parallel_loop3A_99, %parallel_loop3A_113 : vector<16xf32>
        tpu.vector_store_idx %arg7[%broadcast_in_dim3A_12, %parallel_loop3A_95], %parallel_loop3A_115 {add = true} : memref<4x10000xf32, #tpu.memory_space<vmem>>[vector<16xi32>, vector<16xi32>], vector<16xf32>,
        %parallel_loop3A_116 = arith.mulf %parallel_loop3A_99, %parallel_loop3A_114 : vector<16xf32>
        tpu.vector_store_idx %arg7[%broadcast_in_dim3A_12, %parallel_loop3A_92], %parallel_loop3A_116 {add = true} : memref<4x10000xf32, #tpu.memory_space<vmem>>[vector<16xi32>, vector<16xi32>], vector<16xf32>,
      } {sc.loop_unroll_factor = 2 : i64, sc.parallel_access}
      %add3A_70 = arith.constant 1 : i32
      %add3A_71 = arith.addi %add3A_52, %add3A_70 : i32
      %lt3A = arith.constant 16 : i32
      %lt3A_72 = arith.cmpi slt, %add3A_71, %lt3A : i32
      %convert_element_type3A = arith.extui %lt3A_72 : i1 to i32
      %cond3A = arith.constant 0 : i32
      %cond3A_73 = arith.cmpi ne, %convert_element_type3A, %cond3A : i32
      scf.if %cond3A_73 {
        %add3A_85 = arith.constant 2 : i32
        %add3A_86 = arith.addi %mul3A_54, %add3A_85 : i32
        %mul3A_87 = arith.constant 10000 : i32
        %mul3A_88 = arith.muli %add3A_86, %mul3A_87 : i32
        %dma_start3A_89 = tpu.memref_slice %arg2[%mul3A_88] : memref<320000xi32, #tpu.memory_space<hbm>> -> memref<10000xi32, #tpu.memory_space<hbm>>
        %dma_start3A_90 = tpu.memref_slice %arg2[%mul3A_88] : memref<320000xi32, #tpu.memory_space<hbm>> -> memref<10000xi32, #tpu.memory_space<hbm>>
        tpu.enqueue_dma source(%dma_start3A_90 : memref<10000xi32, #tpu.memory_space<hbm>>) target(%arg8 : memref<10000xi32, #tpu.memory_space<vmem>>) target_semaphore(%arg12 : memref<!tpu.dma_semaphore, #tpu.memory_space<semaphore_mem>>)
        %dma_start3A_91 = tpu.memref_slice %arg4[%mul3A_88] : memref<327680xf32, #tpu.memory_space<hbm>> -> memref<10000xf32, #tpu.memory_space<hbm>>
        %dma_start3A_92 = tpu.memref_slice %arg4[%mul3A_88] : memref<327680xf32, #tpu.memory_space<hbm>> -> memref<10000xf32, #tpu.memory_space<hbm>>
        tpu.enqueue_dma source(%dma_start3A_92 : memref<10000xf32, #tpu.memory_space<hbm>>) target(%arg9 : memref<10000xf32, #tpu.memory_space<vmem>>) target_semaphore(%arg12 : memref<!tpu.dma_semaphore, #tpu.memory_space<semaphore_mem>>)
      } else {
      }
      %add3A_74 = arith.constant 1 : i32
      %add3A_75 = arith.addi %mul3A_54, %add3A_74 : i32
      %mul3A_76 = arith.constant 10000 : i32
      %mul3A_77 = arith.muli %add3A_75, %mul3A_76 : i32
      %dma_wait3A_78 = tpu.memref_slice %arg2[%mul3A_77] : memref<320000xi32, #tpu.memory_space<hbm>> -> memref<10000xi32, #tpu.memory_space<hbm>>
      %dma_wait3A_79 = tpu.memref_slice %arg2[%mul3A_77] : memref<320000xi32, #tpu.memory_space<hbm>> -> memref<10000xi32, #tpu.memory_space<hbm>>
      tpu.wait_dma2 semaphore(%arg13 : memref<!tpu.dma_semaphore, #tpu.memory_space<semaphore_mem>>) src(%dma_wait3A_79 : memref<10000xi32, #tpu.memory_space<hbm>>) dst(%arg10 : memref<10000xi32, #tpu.memory_space<vmem>>)
      %dma_wait3A_80 = tpu.memref_slice %arg4[%mul3A_77] : memref<327680xf32, #tpu.memory_space<hbm>> -> memref<10000xf32, #tpu.memory_space<hbm>>
      %dma_wait3A_81 = tpu.memref_slice %arg4[%mul3A_77] : memref<327680xf32, #tpu.memory_space<hbm>> -> memref<10000xf32, #tpu.memory_space<hbm>>
      tpu.wait_dma2 semaphore(%arg13 : memref<!tpu.dma_semaphore, #tpu.memory_space<semaphore_mem>>) src(%dma_wait3A_81 : memref<10000xf32, #tpu.memory_space<hbm>>) dst(%arg11 : memref<10000xf32, #tpu.memory_space<vmem>>)
      %parallel_loop3A_82 = arith.constant 0 : i32
      %parallel_loop3A_83 = arith.constant 625 : i32
      %parallel_loop3A_84 = arith.constant 1 : i32
      scf.for %parallel_loop3A_85 = %parallel_loop3A_82 to %parallel_loop3A_83 step %parallel_loop3A_84  : i32 {
        %parallel_loop3A_86 = arith.constant 16 : i32
        %parallel_loop3A_87 = arith.muli %parallel_loop3A_85, %parallel_loop3A_86 : i32
        %parallel_loop3A_88 = arith.index_cast %parallel_loop3A_87 : i32 to index
        %parallel_loop3A_89 = tpu.vector_load %arg10[%parallel_loop3A_88] {strides = array<i32>} : memref<10000xi32, #tpu.memory_space<vmem>>, vector<16xi32>,
        %parallel_loop3A_90 = arith.constant 14 : i32
        %parallel_loop3A_91 = vector.broadcast %parallel_loop3A_90 : i32 to vector<16xi32>
        %parallel_loop3A_92 = arith.shrui %parallel_loop3A_89, %parallel_loop3A_91 : vector<16xi32>
        %parallel_loop3A_93 = arith.constant 16383 : i32
        %parallel_loop3A_94 = vector.broadcast %parallel_loop3A_93 : i32 to vector<16xi32>
        %parallel_loop3A_95 = arith.andi %parallel_loop3A_89, %parallel_loop3A_94 : vector<16xi32>
        %parallel_loop3A_96 = arith.constant 16 : i32
        %parallel_loop3A_97 = arith.muli %parallel_loop3A_85, %parallel_loop3A_96 : i32
        %parallel_loop3A_98 = arith.index_cast %parallel_loop3A_97 : i32 to index
        %parallel_loop3A_99 = tpu.vector_load %arg11[%parallel_loop3A_98] {strides = array<i32>} : memref<10000xf32, #tpu.memory_space<vmem>>, vector<16xf32>,
        %parallel_loop3A_100 = arith.mulf %parallel_loop3A_99, %broadcast_in_dim3A : vector<16xf32>
        %parallel_loop3A_101 = tpu.vector_load_idx %arg6[%broadcast_in_dim3A_6, %parallel_loop3A_92] : memref<4x10000xf32, #tpu.memory_space<vmem>>[vector<16xi32>, vector<16xi32>], vector<16xf32>,
        %parallel_loop3A_102 = tpu.vector_load_idx %arg6[%broadcast_in_dim3A_6, %parallel_loop3A_95] : memref<4x10000xf32, #tpu.memory_space<vmem>>[vector<16xi32>, vector<16xi32>], vector<16xf32>,
        %parallel_loop3A_103 = arith.mulf %parallel_loop3A_100, %parallel_loop3A_101 : vector<16xf32>
        tpu.vector_store_idx %arg7[%broadcast_in_dim3A_6, %parallel_loop3A_95], %parallel_loop3A_103 {add = true} : memref<4x10000xf32, #tpu.memory_space<vmem>>[vector<16xi32>, vector<16xi32>], vector<16xf32>,
        %parallel_loop3A_104 = arith.mulf %parallel_loop3A_100, %parallel_loop3A_102 : vector<16xf32>
        tpu.vector_store_idx %arg7[%broadcast_in_dim3A_6, %parallel_loop3A_92], %parallel_loop3A_104 {add = true} : memref<4x10000xf32, #tpu.memory_space<vmem>>[vector<16xi32>, vector<16xi32>], vector<16xf32>,
        %parallel_loop3A_105 = tpu.vector_load_idx %arg6[%broadcast_in_dim3A_8, %parallel_loop3A_92] : memref<4x10000xf32, #tpu.memory_space<vmem>>[vector<16xi32>, vector<16xi32>], vector<16xf32>,
        %parallel_loop3A_106 = tpu.vector_load_idx %arg6[%broadcast_in_dim3A_8, %parallel_loop3A_95] : memref<4x10000xf32, #tpu.memory_space<vmem>>[vector<16xi32>, vector<16xi32>], vector<16xf32>,
        %parallel_loop3A_107 = arith.mulf %parallel_loop3A_99, %parallel_loop3A_105 : vector<16xf32>
        tpu.vector_store_idx %arg7[%broadcast_in_dim3A_8, %parallel_loop3A_95], %parallel_loop3A_107 {add = true} : memref<4x10000xf32, #tpu.memory_space<vmem>>[vector<16xi32>, vector<16xi32>], vector<16xf32>,
        %parallel_loop3A_108 = arith.mulf %parallel_loop3A_99, %parallel_loop3A_106 : vector<16xf32>
        tpu.vector_store_idx %arg7[%broadcast_in_dim3A_8, %parallel_loop3A_92], %parallel_loop3A_108 {add = true} : memref<4x10000xf32, #tpu.memory_space<vmem>>[vector<16xi32>, vector<16xi32>], vector<16xf32>,
        %parallel_loop3A_109 = tpu.vector_load_idx %arg6[%broadcast_in_dim3A_10, %parallel_loop3A_92] : memref<4x10000xf32, #tpu.memory_space<vmem>>[vector<16xi32>, vector<16xi32>], vector<16xf32>,
        %parallel_loop3A_110 = tpu.vector_load_idx %arg6[%broadcast_in_dim3A_10, %parallel_loop3A_95] : memref<4x10000xf32, #tpu.memory_space<vmem>>[vector<16xi32>, vector<16xi32>], vector<16xf32>,
        %parallel_loop3A_111 = arith.mulf %parallel_loop3A_99, %parallel_loop3A_109 : vector<16xf32>
        tpu.vector_store_idx %arg7[%broadcast_in_dim3A_10, %parallel_loop3A_95], %parallel_loop3A_111 {add = true} : memref<4x10000xf32, #tpu.memory_space<vmem>>[vector<16xi32>, vector<16xi32>], vector<16xf32>,
        %parallel_loop3A_112 = arith.mulf %parallel_loop3A_99, %parallel_loop3A_110 : vector<16xf32>
        tpu.vector_store_idx %arg7[%broadcast_in_dim3A_10, %parallel_loop3A_92], %parallel_loop3A_112 {add = true} : memref<4x10000xf32, #tpu.memory_space<vmem>>[vector<16xi32>, vector<16xi32>], vector<16xf32>,
        %parallel_loop3A_113 = tpu.vector_load_idx %arg6[%broadcast_in_dim3A_12, %parallel_loop3A_92] : memref<4x10000xf32, #tpu.memory_space<vmem>>[vector<16xi32>, vector<16xi32>], vector<16xf32>,
        %parallel_loop3A_114 = tpu.vector_load_idx %arg6[%broadcast_in_dim3A_12, %parallel_loop3A_95] : memref<4x10000xf32, #tpu.memory_space<vmem>>[vector<16xi32>, vector<16xi32>], vector<16xf32>,
        %parallel_loop3A_115 = arith.mulf %parallel_loop3A_99, %parallel_loop3A_113 : vector<16xf32>
        tpu.vector_store_idx %arg7[%broadcast_in_dim3A_12, %parallel_loop3A_95], %parallel_loop3A_115 {add = true} : memref<4x10000xf32, #tpu.memory_space<vmem>>[vector<16xi32>, vector<16xi32>], vector<16xf32>,
        %parallel_loop3A_116 = arith.mulf %parallel_loop3A_99, %parallel_loop3A_114 : vector<16xf32>
        tpu.vector_store_idx %arg7[%broadcast_in_dim3A_12, %parallel_loop3A_92], %parallel_loop3A_116 {add = true} : memref<4x10000xf32, #tpu.memory_space<vmem>>[vector<16xi32>, vector<16xi32>], vector<16xf32>,
      } {sc.loop_unroll_factor = 2 : i64, sc.parallel_access}
    }
    %scan3A_45 = arith.constant 16 : i32
    %mul3A_46 = arith.constant 4 : i32
    %mul3A_47 = arith.muli %add3A, %mul3A_46 : i32
    "tpu.region"() ({
      %run_scoped3A = tpu.sem_alloc : memref<!tpu.dma_semaphore, #tpu.memory_space<semaphore_mem>>
      %dma_start3A_48 = arith.constant 0 : i32
      %dma_start3A_49 = tpu.memref_slice %arg5[%mul3A_47, %dma_start3A_48] : memref<128x10000xf32, #tpu.memory_space<hbm>> -> memref<4x10000xf32, #tpu.memory_space<hbm>>
      %dma_start3A_50 = arith.constant 0 : i32
      %dma_start3A_51 = tpu.memref_slice %arg5[%mul3A_47, %dma_start3A_50] : memref<128x10000xf32, #tpu.memory_space<hbm>> -> memref<4x10000xf32, #tpu.memory_space<hbm>>
      tpu.enqueue_dma source(%arg7 : memref<4x10000xf32, #tpu.memory_space<vmem>>) target(%dma_start3A_51 : memref<4x10000xf32, #tpu.memory_space<hbm>>) target_semaphore(%run_scoped3A : memref<!tpu.dma_semaphore, #tpu.memory_space<semaphore_mem>>)
      %dma_wait3A = arith.constant 0 : i32
      %dma_wait3A_52 = tpu.memref_slice %arg5[%mul3A_47, %dma_wait3A] : memref<128x10000xf32, #tpu.memory_space<hbm>> -> memref<4x10000xf32, #tpu.memory_space<hbm>>
      %dma_wait3A_53 = arith.constant 0 : i32
      %dma_wait3A_54 = tpu.memref_slice %arg5[%mul3A_47, %dma_wait3A_53] : memref<128x10000xf32, #tpu.memory_space<hbm>> -> memref<4x10000xf32, #tpu.memory_space<hbm>>
      tpu.wait_dma2 semaphore(%run_scoped3A : memref<!tpu.dma_semaphore, #tpu.memory_space<semaphore_mem>>) src(%arg7 : memref<4x10000xf32, #tpu.memory_space<vmem>>) dst(%dma_wait3A_54 : memref<4x10000xf32, #tpu.memory_space<hbm>>)
      tpu.yield
    }) : () -> ()
    return
  }
}

#map = affine_map<(d0, d1) -> (0)>
#map1 = affine_map<(d0, d1) -> (0, 0)>
module attributes {stable_mosaic.version = 14 : i64} {
  func.func @k(%arg0: i32, %arg1: i32, %arg2: memref<320000xi32, #tpu.memory_space<hbm>>, %arg3: memref<128x10000xf32, #tpu.memory_space<hbm>>, %arg4: memref<10485760xf32, #tpu.memory_space<hbm>>, %arg5: memref<4x10000xf32, #tpu.memory_space<vmem>>, %arg6: memref<20000xi32, #tpu.memory_space<vmem>>, %arg7: memref<20000xi32, #tpu.memory_space<vmem>>, %arg8: memref<20000xf32, #tpu.memory_space<vmem>>, %arg9: memref<!tpu.dma_semaphore, #tpu.memory_space<semaphore_mem>>, %arg10: memref<!tpu.dma_semaphore, #tpu.memory_space<semaphore_mem>>) attributes {dimension_semantics = [#tpu.dimension_semantics<core_parallel>, #tpu.dimension_semantics<subcore_parallel>], iteration_bounds = array<i64: 2, 16>, scalar_prefetch = 0 : i64, scratch_operands = 6 : i64, tpu.core_type = #tpu.core_type<sc_vector_subcore>, window_params = [{transform_indices = #map}, {transform_indices = #map1}, {transform_indices = #map}]} {
    %mul3A = arith.constant 2 : i32
    %mul3A_0 = arith.muli %arg1, %mul3A : i32
    %add3A = arith.addi %mul3A_0, %arg0 : i32
    %mul3A_1 = arith.constant 4 : i32
    %mul3A_2 = arith.muli %add3A, %mul3A_1 : i32
    "tpu.region"() ({
      %run_scoped3A = tpu.sem_alloc : memref<!tpu.dma_semaphore, #tpu.memory_space<semaphore_mem>>
      %dma_start3A_20 = arith.constant 0 : i32
      %dma_start3A_21 = tpu.memref_slice %arg3[%mul3A_2, %dma_start3A_20] : memref<128x10000xf32, #tpu.memory_space<hbm>> -> memref<4x10000xf32, #tpu.memory_space<hbm>>
      %dma_start3A_22 = arith.constant 0 : i32
      %dma_start3A_23 = tpu.memref_slice %arg3[%mul3A_2, %dma_start3A_22] : memref<128x10000xf32, #tpu.memory_space<hbm>> -> memref<4x10000xf32, #tpu.memory_space<hbm>>
      tpu.enqueue_dma source(%dma_start3A_23 : memref<4x10000xf32, #tpu.memory_space<hbm>>) target(%arg5 : memref<4x10000xf32, #tpu.memory_space<vmem>>) target_semaphore(%run_scoped3A : memref<!tpu.dma_semaphore, #tpu.memory_space<semaphore_mem>>)
      %dma_wait3A = arith.constant 0 : i32
      %dma_wait3A_24 = tpu.memref_slice %arg3[%mul3A_2, %dma_wait3A] : memref<128x10000xf32, #tpu.memory_space<hbm>> -> memref<4x10000xf32, #tpu.memory_space<hbm>>
      %dma_wait3A_25 = arith.constant 0 : i32
      %dma_wait3A_26 = tpu.memref_slice %arg3[%mul3A_2, %dma_wait3A_25] : memref<128x10000xf32, #tpu.memory_space<hbm>> -> memref<4x10000xf32, #tpu.memory_space<hbm>>
      tpu.wait_dma2 semaphore(%run_scoped3A : memref<!tpu.dma_semaphore, #tpu.memory_space<semaphore_mem>>) src(%dma_wait3A_26 : memref<4x10000xf32, #tpu.memory_space<hbm>>) dst(%arg5 : memref<4x10000xf32, #tpu.memory_space<vmem>>)
      tpu.yield
    }) : () -> ()
    %eq3A = arith.constant 0 : i32
    %eq3A_3 = arith.cmpi eq, %add3A, %eq3A : i32
    %jit3A = arith.constant -1.000000e+00 : f32
    %jit3A_4 = arith.constant 1.000000e+00 : f32
    %select_n3A = arith.select %eq3A_3, %jit3A, %jit3A_4 : f32
    %broadcast_in_dim3A = vector.broadcast %select_n3A : f32 to vector<16xf32>
    %broadcast_in_dim3A_5 = arith.constant 0 : i32
    %broadcast_in_dim3A_6 = vector.broadcast %broadcast_in_dim3A_5 : i32 to vector<16xi32>
    %broadcast_in_dim3A_7 = arith.constant 1 : i32
    %broadcast_in_dim3A_8 = vector.broadcast %broadcast_in_dim3A_7 : i32 to vector<16xi32>
    %broadcast_in_dim3A_9 = arith.constant 2 : i32
    %broadcast_in_dim3A_10 = vector.broadcast %broadcast_in_dim3A_9 : i32 to vector<16xi32>
    %broadcast_in_dim3A_11 = arith.constant 3 : i32
    %broadcast_in_dim3A_12 = vector.broadcast %broadcast_in_dim3A_11 : i32 to vector<16xi32>
    %dma_start3A = arith.constant 0 : i32
    %dma_start3A_13 = tpu.memref_slice %arg2[%dma_start3A] : memref<320000xi32, #tpu.memory_space<hbm>> -> memref<20000xi32, #tpu.memory_space<hbm>>
    %dma_start3A_14 = arith.constant 0 : i32
    %dma_start3A_15 = tpu.memref_slice %arg2[%dma_start3A_14] : memref<320000xi32, #tpu.memory_space<hbm>> -> memref<20000xi32, #tpu.memory_space<hbm>>
    tpu.enqueue_dma source(%dma_start3A_15 : memref<20000xi32, #tpu.memory_space<hbm>>) target(%arg6 : memref<20000xi32, #tpu.memory_space<vmem>>) target_semaphore(%arg9 : memref<!tpu.dma_semaphore, #tpu.memory_space<semaphore_mem>>)
    %scan3A = arith.constant 0 : i32
    %scan3A_16 = arith.constant 8 : i32
    %scan3A_17 = arith.addi %scan3A, %scan3A_16 : i32
    %scan3A_18 = arith.constant 1 : i32
    scf.for %scan3A_20 = %scan3A to %scan3A_17 step %scan3A_18  : i32 {
      %mul3A_21 = arith.constant 1 : i32
      %mul3A_22 = arith.muli %scan3A_20, %mul3A_21 : i32
      %add3A_23 = arith.constant 0 : i32
      %add3A_24 = arith.addi %add3A_23, %mul3A_22 : i32
      %mul3A_25 = arith.constant 2 : i32
      %mul3A_26 = arith.muli %add3A_24, %mul3A_25 : i32
      %add3A_27 = arith.constant 1 : i32
      %add3A_28 = arith.addi %mul3A_26, %add3A_27 : i32
      %mul3A_29 = arith.constant 20000 : i32
      %mul3A_30 = arith.muli %add3A_28, %mul3A_29 : i32
      %dma_start3A_31 = tpu.memref_slice %arg2[%mul3A_30] : memref<320000xi32, #tpu.memory_space<hbm>> -> memref<20000xi32, #tpu.memory_space<hbm>>
      %dma_start3A_32 = tpu.memref_slice %arg2[%mul3A_30] : memref<320000xi32, #tpu.memory_space<hbm>> -> memref<20000xi32, #tpu.memory_space<hbm>>
      tpu.enqueue_dma source(%dma_start3A_32 : memref<20000xi32, #tpu.memory_space<hbm>>) target(%arg7 : memref<20000xi32, #tpu.memory_space<vmem>>) target_semaphore(%arg10 : memref<!tpu.dma_semaphore, #tpu.memory_space<semaphore_mem>>)
      %mul3A_33 = arith.constant 20000 : i32
      %mul3A_34 = arith.muli %mul3A_26, %mul3A_33 : i32
      %dma_wait3A = tpu.memref_slice %arg2[%mul3A_34] : memref<320000xi32, #tpu.memory_space<hbm>> -> memref<20000xi32, #tpu.memory_space<hbm>>
      %dma_wait3A_35 = tpu.memref_slice %arg2[%mul3A_34] : memref<320000xi32, #tpu.memory_space<hbm>> -> memref<20000xi32, #tpu.memory_space<hbm>>
      tpu.wait_dma2 semaphore(%arg9 : memref<!tpu.dma_semaphore, #tpu.memory_space<semaphore_mem>>) src(%dma_wait3A_35 : memref<20000xi32, #tpu.memory_space<hbm>>) dst(%arg6 : memref<20000xi32, #tpu.memory_space<vmem>>)
      %parallel_loop3A = arith.constant 0 : i32
      %parallel_loop3A_36 = arith.constant 1250 : i32
      %parallel_loop3A_37 = arith.constant 1 : i32
      scf.for %parallel_loop3A_63 = %parallel_loop3A to %parallel_loop3A_36 step %parallel_loop3A_37  : i32 {
        %parallel_loop3A_64 = arith.constant 16 : i32
        %parallel_loop3A_65 = arith.muli %parallel_loop3A_63, %parallel_loop3A_64 : i32
        %parallel_loop3A_66 = arith.index_cast %parallel_loop3A_65 : i32 to index
        %parallel_loop3A_67 = tpu.vector_load %arg6[%parallel_loop3A_66] {strides = array<i32>} : memref<20000xi32, #tpu.memory_space<vmem>>, vector<16xi32>,
        %parallel_loop3A_68 = arith.constant 14 : i32
        %parallel_loop3A_69 = vector.broadcast %parallel_loop3A_68 : i32 to vector<16xi32>
        %parallel_loop3A_70 = arith.shrui %parallel_loop3A_67, %parallel_loop3A_69 : vector<16xi32>
        %parallel_loop3A_71 = arith.constant 16383 : i32
        %parallel_loop3A_72 = vector.broadcast %parallel_loop3A_71 : i32 to vector<16xi32>
        %parallel_loop3A_73 = arith.andi %parallel_loop3A_67, %parallel_loop3A_72 : vector<16xi32>
        %parallel_loop3A_74 = tpu.vector_load_idx %arg5[%broadcast_in_dim3A_6, %parallel_loop3A_70] : memref<4x10000xf32, #tpu.memory_space<vmem>>[vector<16xi32>, vector<16xi32>], vector<16xf32>,
        %parallel_loop3A_75 = tpu.vector_load_idx %arg5[%broadcast_in_dim3A_6, %parallel_loop3A_73] : memref<4x10000xf32, #tpu.memory_space<vmem>>[vector<16xi32>, vector<16xi32>], vector<16xf32>,
        %parallel_loop3A_76 = arith.mulf %parallel_loop3A_74, %parallel_loop3A_75 : vector<16xf32>
        %parallel_loop3A_77 = arith.mulf %parallel_loop3A_76, %broadcast_in_dim3A : vector<16xf32>
        %parallel_loop3A_78 = tpu.vector_load_idx %arg5[%broadcast_in_dim3A_8, %parallel_loop3A_70] : memref<4x10000xf32, #tpu.memory_space<vmem>>[vector<16xi32>, vector<16xi32>], vector<16xf32>,
        %parallel_loop3A_79 = tpu.vector_load_idx %arg5[%broadcast_in_dim3A_8, %parallel_loop3A_73] : memref<4x10000xf32, #tpu.memory_space<vmem>>[vector<16xi32>, vector<16xi32>], vector<16xf32>,
        %parallel_loop3A_80 = arith.mulf %parallel_loop3A_78, %parallel_loop3A_79 : vector<16xf32>
        %parallel_loop3A_81 = arith.addf %parallel_loop3A_77, %parallel_loop3A_80 : vector<16xf32>
        %parallel_loop3A_82 = tpu.vector_load_idx %arg5[%broadcast_in_dim3A_10, %parallel_loop3A_70] : memref<4x10000xf32, #tpu.memory_space<vmem>>[vector<16xi32>, vector<16xi32>], vector<16xf32>,
        %parallel_loop3A_83 = tpu.vector_load_idx %arg5[%broadcast_in_dim3A_10, %parallel_loop3A_73] : memref<4x10000xf32, #tpu.memory_space<vmem>>[vector<16xi32>, vector<16xi32>], vector<16xf32>,
        %parallel_loop3A_84 = arith.mulf %parallel_loop3A_82, %parallel_loop3A_83 : vector<16xf32>
        %parallel_loop3A_85 = arith.addf %parallel_loop3A_81, %parallel_loop3A_84 : vector<16xf32>
        %parallel_loop3A_86 = tpu.vector_load_idx %arg5[%broadcast_in_dim3A_12, %parallel_loop3A_70] : memref<4x10000xf32, #tpu.memory_space<vmem>>[vector<16xi32>, vector<16xi32>], vector<16xf32>,
        %parallel_loop3A_87 = tpu.vector_load_idx %arg5[%broadcast_in_dim3A_12, %parallel_loop3A_73] : memref<4x10000xf32, #tpu.memory_space<vmem>>[vector<16xi32>, vector<16xi32>], vector<16xf32>,
        %parallel_loop3A_88 = arith.mulf %parallel_loop3A_86, %parallel_loop3A_87 : vector<16xf32>
        %parallel_loop3A_89 = arith.addf %parallel_loop3A_85, %parallel_loop3A_88 : vector<16xf32>
        %parallel_loop3A_90 = arith.constant 16 : i32
        %parallel_loop3A_91 = arith.muli %parallel_loop3A_63, %parallel_loop3A_90 : i32
        %parallel_loop3A_92 = arith.index_cast %parallel_loop3A_91 : i32 to index
        %parallel_loop3A_93 = tpu.vector_load %arg8[%parallel_loop3A_92] {strides = array<i32>} : memref<20000xf32, #tpu.memory_space<vmem>>, vector<16xf32>,
        tpu.vector_store %arg8[%parallel_loop3A_92], %parallel_loop3A_89 {strides = array<i32>} : memref<20000xf32, #tpu.memory_space<vmem>>, vector<16xf32>,
      } {sc.loop_unroll_factor = 4 : i64, sc.parallel_access}
      %mul3A_38 = arith.constant 327680 : i32
      %mul3A_39 = arith.muli %add3A, %mul3A_38 : i32
      %mul3A_40 = arith.constant 20000 : i32
      %mul3A_41 = arith.muli %mul3A_26, %mul3A_40 : i32
      %add3A_42 = arith.addi %mul3A_39, %mul3A_41 : i32
      "tpu.region"() ({
        %run_scoped3A = tpu.sem_alloc : memref<!tpu.dma_semaphore, #tpu.memory_space<semaphore_mem>>
        %dma_start3A_63 = tpu.memref_slice %arg4[%add3A_42] : memref<10485760xf32, #tpu.memory_space<hbm>> -> memref<20000xf32, #tpu.memory_space<hbm>>
        %dma_start3A_64 = tpu.memref_slice %arg4[%add3A_42] : memref<10485760xf32, #tpu.memory_space<hbm>> -> memref<20000xf32, #tpu.memory_space<hbm>>
        tpu.enqueue_dma source(%arg8 : memref<20000xf32, #tpu.memory_space<vmem>>) target(%dma_start3A_64 : memref<20000xf32, #tpu.memory_space<hbm>>) target_semaphore(%run_scoped3A : memref<!tpu.dma_semaphore, #tpu.memory_space<semaphore_mem>>)
        %dma_wait3A_65 = tpu.memref_slice %arg4[%add3A_42] : memref<10485760xf32, #tpu.memory_space<hbm>> -> memref<20000xf32, #tpu.memory_space<hbm>>
        %dma_wait3A_66 = tpu.memref_slice %arg4[%add3A_42] : memref<10485760xf32, #tpu.memory_space<hbm>> -> memref<20000xf32, #tpu.memory_space<hbm>>
        tpu.wait_dma2 semaphore(%run_scoped3A : memref<!tpu.dma_semaphore, #tpu.memory_space<semaphore_mem>>) src(%arg8 : memref<20000xf32, #tpu.memory_space<vmem>>) dst(%dma_wait3A_66 : memref<20000xf32, #tpu.memory_space<hbm>>)
        tpu.yield
      }) : () -> ()
      %add3A_43 = arith.constant 1 : i32
      %add3A_44 = arith.addi %add3A_24, %add3A_43 : i32
      %lt3A = arith.constant 8 : i32
      %lt3A_45 = arith.cmpi slt, %add3A_44, %lt3A : i32
      %convert_element_type3A = arith.extui %lt3A_45 : i1 to i32
      %cond3A = arith.constant 0 : i32
      %cond3A_46 = arith.cmpi ne, %convert_element_type3A, %cond3A : i32
      scf.if %cond3A_46 {
        %add3A_63 = arith.constant 2 : i32
        %add3A_64 = arith.addi %mul3A_26, %add3A_63 : i32
        %mul3A_65 = arith.constant 20000 : i32
        %mul3A_66 = arith.muli %add3A_64, %mul3A_65 : i32
        %dma_start3A_67 = tpu.memref_slice %arg2[%mul3A_66] : memref<320000xi32, #tpu.memory_space<hbm>> -> memref<20000xi32, #tpu.memory_space<hbm>>
        %dma_start3A_68 = tpu.memref_slice %arg2[%mul3A_66] : memref<320000xi32, #tpu.memory_space<hbm>> -> memref<20000xi32, #tpu.memory_space<hbm>>
        tpu.enqueue_dma source(%dma_start3A_68 : memref<20000xi32, #tpu.memory_space<hbm>>) target(%arg6 : memref<20000xi32, #tpu.memory_space<vmem>>) target_semaphore(%arg9 : memref<!tpu.dma_semaphore, #tpu.memory_space<semaphore_mem>>)
      } else {
      }
      %add3A_47 = arith.constant 1 : i32
      %add3A_48 = arith.addi %mul3A_26, %add3A_47 : i32
      %mul3A_49 = arith.constant 20000 : i32
      %mul3A_50 = arith.muli %add3A_48, %mul3A_49 : i32
      %dma_wait3A_51 = tpu.memref_slice %arg2[%mul3A_50] : memref<320000xi32, #tpu.memory_space<hbm>> -> memref<20000xi32, #tpu.memory_space<hbm>>
      %dma_wait3A_52 = tpu.memref_slice %arg2[%mul3A_50] : memref<320000xi32, #tpu.memory_space<hbm>> -> memref<20000xi32, #tpu.memory_space<hbm>>
      tpu.wait_dma2 semaphore(%arg10 : memref<!tpu.dma_semaphore, #tpu.memory_space<semaphore_mem>>) src(%dma_wait3A_52 : memref<20000xi32, #tpu.memory_space<hbm>>) dst(%arg7 : memref<20000xi32, #tpu.memory_space<vmem>>)
      %add3A_53 = arith.constant 1 : i32
      %add3A_54 = arith.addi %mul3A_26, %add3A_53 : i32
      %parallel_loop3A_55 = arith.constant 0 : i32
      %parallel_loop3A_56 = arith.constant 1250 : i32
      %parallel_loop3A_57 = arith.constant 1 : i32
      scf.for %parallel_loop3A_63 = %parallel_loop3A_55 to %parallel_loop3A_56 step %parallel_loop3A_57  : i32 {
        %parallel_loop3A_64 = arith.constant 16 : i32
        %parallel_loop3A_65 = arith.muli %parallel_loop3A_63, %parallel_loop3A_64 : i32
        %parallel_loop3A_66 = arith.index_cast %parallel_loop3A_65 : i32 to index
        %parallel_loop3A_67 = tpu.vector_load %arg7[%parallel_loop3A_66] {strides = array<i32>} : memref<20000xi32, #tpu.memory_space<vmem>>, vector<16xi32>,
        %parallel_loop3A_68 = arith.constant 14 : i32
        %parallel_loop3A_69 = vector.broadcast %parallel_loop3A_68 : i32 to vector<16xi32>
        %parallel_loop3A_70 = arith.shrui %parallel_loop3A_67, %parallel_loop3A_69 : vector<16xi32>
        %parallel_loop3A_71 = arith.constant 16383 : i32
        %parallel_loop3A_72 = vector.broadcast %parallel_loop3A_71 : i32 to vector<16xi32>
        %parallel_loop3A_73 = arith.andi %parallel_loop3A_67, %parallel_loop3A_72 : vector<16xi32>
        %parallel_loop3A_74 = tpu.vector_load_idx %arg5[%broadcast_in_dim3A_6, %parallel_loop3A_70] : memref<4x10000xf32, #tpu.memory_space<vmem>>[vector<16xi32>, vector<16xi32>], vector<16xf32>,
        %parallel_loop3A_75 = tpu.vector_load_idx %arg5[%broadcast_in_dim3A_6, %parallel_loop3A_73] : memref<4x10000xf32, #tpu.memory_space<vmem>>[vector<16xi32>, vector<16xi32>], vector<16xf32>,
        %parallel_loop3A_76 = arith.mulf %parallel_loop3A_74, %parallel_loop3A_75 : vector<16xf32>
        %parallel_loop3A_77 = arith.mulf %parallel_loop3A_76, %broadcast_in_dim3A : vector<16xf32>
        %parallel_loop3A_78 = tpu.vector_load_idx %arg5[%broadcast_in_dim3A_8, %parallel_loop3A_70] : memref<4x10000xf32, #tpu.memory_space<vmem>>[vector<16xi32>, vector<16xi32>], vector<16xf32>,
        %parallel_loop3A_79 = tpu.vector_load_idx %arg5[%broadcast_in_dim3A_8, %parallel_loop3A_73] : memref<4x10000xf32, #tpu.memory_space<vmem>>[vector<16xi32>, vector<16xi32>], vector<16xf32>,
        %parallel_loop3A_80 = arith.mulf %parallel_loop3A_78, %parallel_loop3A_79 : vector<16xf32>
        %parallel_loop3A_81 = arith.addf %parallel_loop3A_77, %parallel_loop3A_80 : vector<16xf32>
        %parallel_loop3A_82 = tpu.vector_load_idx %arg5[%broadcast_in_dim3A_10, %parallel_loop3A_70] : memref<4x10000xf32, #tpu.memory_space<vmem>>[vector<16xi32>, vector<16xi32>], vector<16xf32>,
        %parallel_loop3A_83 = tpu.vector_load_idx %arg5[%broadcast_in_dim3A_10, %parallel_loop3A_73] : memref<4x10000xf32, #tpu.memory_space<vmem>>[vector<16xi32>, vector<16xi32>], vector<16xf32>,
        %parallel_loop3A_84 = arith.mulf %parallel_loop3A_82, %parallel_loop3A_83 : vector<16xf32>
        %parallel_loop3A_85 = arith.addf %parallel_loop3A_81, %parallel_loop3A_84 : vector<16xf32>
        %parallel_loop3A_86 = tpu.vector_load_idx %arg5[%broadcast_in_dim3A_12, %parallel_loop3A_70] : memref<4x10000xf32, #tpu.memory_space<vmem>>[vector<16xi32>, vector<16xi32>], vector<16xf32>,
        %parallel_loop3A_87 = tpu.vector_load_idx %arg5[%broadcast_in_dim3A_12, %parallel_loop3A_73] : memref<4x10000xf32, #tpu.memory_space<vmem>>[vector<16xi32>, vector<16xi32>], vector<16xf32>,
        %parallel_loop3A_88 = arith.mulf %parallel_loop3A_86, %parallel_loop3A_87 : vector<16xf32>
        %parallel_loop3A_89 = arith.addf %parallel_loop3A_85, %parallel_loop3A_88 : vector<16xf32>
        %parallel_loop3A_90 = arith.constant 16 : i32
        %parallel_loop3A_91 = arith.muli %parallel_loop3A_63, %parallel_loop3A_90 : i32
        %parallel_loop3A_92 = arith.index_cast %parallel_loop3A_91 : i32 to index
        %parallel_loop3A_93 = tpu.vector_load %arg8[%parallel_loop3A_92] {strides = array<i32>} : memref<20000xf32, #tpu.memory_space<vmem>>, vector<16xf32>,
        tpu.vector_store %arg8[%parallel_loop3A_92], %parallel_loop3A_89 {strides = array<i32>} : memref<20000xf32, #tpu.memory_space<vmem>>, vector<16xf32>,
      } {sc.loop_unroll_factor = 4 : i64, sc.parallel_access}
      %mul3A_58 = arith.constant 327680 : i32
      %mul3A_59 = arith.muli %add3A, %mul3A_58 : i32
      %mul3A_60 = arith.constant 20000 : i32
      %mul3A_61 = arith.muli %add3A_54, %mul3A_60 : i32
      %add3A_62 = arith.addi %mul3A_59, %mul3A_61 : i32
      "tpu.region"() ({
        %run_scoped3A = tpu.sem_alloc : memref<!tpu.dma_semaphore, #tpu.memory_space<semaphore_mem>>
        %dma_start3A_63 = tpu.memref_slice %arg4[%add3A_62] : memref<10485760xf32, #tpu.memory_space<hbm>> -> memref<20000xf32, #tpu.memory_space<hbm>>
        %dma_start3A_64 = tpu.memref_slice %arg4[%add3A_62] : memref<10485760xf32, #tpu.memory_space<hbm>> -> memref<20000xf32, #tpu.memory_space<hbm>>
        tpu.enqueue_dma source(%arg8 : memref<20000xf32, #tpu.memory_space<vmem>>) target(%dma_start3A_64 : memref<20000xf32, #tpu.memory_space<hbm>>) target_semaphore(%run_scoped3A : memref<!tpu.dma_semaphore, #tpu.memory_space<semaphore_mem>>)
        %dma_wait3A_65 = tpu.memref_slice %arg4[%add3A_62] : memref<10485760xf32, #tpu.memory_space<hbm>> -> memref<20000xf32, #tpu.memory_space<hbm>>
        %dma_wait3A_66 = tpu.memref_slice %arg4[%add3A_62] : memref<10485760xf32, #tpu.memory_space<hbm>> -> memref<20000xf32, #tpu.memory_space<hbm>>
        tpu.wait_dma2 semaphore(%run_scoped3A : memref<!tpu.dma_semaphore, #tpu.memory_space<semaphore_mem>>) src(%arg8 : memref<20000xf32, #tpu.memory_space<vmem>>) dst(%dma_wait3A_66 : memref<20000xf32, #tpu.memory_space<hbm>>)
        tpu.yield
      }) : () -> ()
    }
    %scan3A_19 = arith.constant 8 : i32
    return
  }
}

module attributes {stable_mosaic.version = 14 : i64} {
  func.func @body(%arg0: i32, %arg1: memref<40960xf32, #tpu.memory_space<vmem>>, %arg2: memref<40960xf32, #tpu.memory_space<vmem>>, %arg3: memref<40960xf32, #tpu.memory_space<vmem>>, %arg4: memref<40960xf32, #tpu.memory_space<vmem>>, %arg5: memref<40960xf32, #tpu.memory_space<vmem>>, %arg6: memref<40960xf32, #tpu.memory_space<vmem>>, %arg7: memref<40960xf32, #tpu.memory_space<vmem>>, %arg8: memref<40960xf32, #tpu.memory_space<vmem>>, %arg9: memref<40960xf32, #tpu.memory_space<vmem>>, %arg10: memref<40960xf32, #tpu.memory_space<vmem>>, %arg11: memref<40960xf32, #tpu.memory_space<vmem>>, %arg12: memref<40960xf32, #tpu.memory_space<vmem>>, %arg13: memref<40960xf32, #tpu.memory_space<vmem>>, %arg14: memref<40960xf32, #tpu.memory_space<vmem>>, %arg15: memref<40960xf32, #tpu.memory_space<vmem>>, %arg16: memref<40960xf32, #tpu.memory_space<vmem>>, %arg17: memref<40960xf32, #tpu.memory_space<vmem>>, %arg18: memref<40960xf32, #tpu.memory_space<vmem>>, %arg19: memref<40960xf32, #tpu.memory_space<vmem>>, %arg20: memref<40960xf32, #tpu.memory_space<vmem>>, %arg21: memref<40960xf32, #tpu.memory_space<vmem>>, %arg22: memref<40960xf32, #tpu.memory_space<vmem>>, %arg23: memref<40960xf32, #tpu.memory_space<vmem>>, %arg24: memref<40960xf32, #tpu.memory_space<vmem>>, %arg25: memref<40960xf32, #tpu.memory_space<vmem>>, %arg26: memref<40960xf32, #tpu.memory_space<vmem>>, %arg27: memref<40960xf32, #tpu.memory_space<vmem>>, %arg28: memref<40960xf32, #tpu.memory_space<vmem>>, %arg29: memref<40960xf32, #tpu.memory_space<vmem>>, %arg30: memref<40960xf32, #tpu.memory_space<vmem>>, %arg31: memref<40960xf32, #tpu.memory_space<vmem>>, %arg32: memref<40960xf32, #tpu.memory_space<vmem>>, %arg33: memref<40960xf32, #tpu.memory_space<vmem>>, %arg34: memref<1xf32, #tpu.memory_space<vmem>>) attributes {dimension_semantics = [#tpu.dimension_semantics<arbitrary>], iteration_bounds = array<i64: 8>, scalar_prefetch = 0 : i64, scratch_operands = 0 : i64, tpu.core_type = #tpu.core_type<tc>, window_params = [{transform_indices = @transform_0, window_bounds = array<i64: 40960>}, {transform_indices = @transform_1, window_bounds = array<i64: 40960>}, {transform_indices = @transform_2, window_bounds = array<i64: 40960>}, {transform_indices = @transform_3, window_bounds = array<i64: 40960>}, {transform_indices = @transform_4, window_bounds = array<i64: 40960>}, {transform_indices = @transform_5, window_bounds = array<i64: 40960>}, {transform_indices = @transform_6, window_bounds = array<i64: 40960>}, {transform_indices = @transform_7, window_bounds = array<i64: 40960>}, {transform_indices = @transform_8, window_bounds = array<i64: 40960>}, {transform_indices = @transform_9, window_bounds = array<i64: 40960>}, {transform_indices = @transform_10, window_bounds = array<i64: 40960>}, {transform_indices = @transform_11, window_bounds = array<i64: 40960>}, {transform_indices = @transform_12, window_bounds = array<i64: 40960>}, {transform_indices = @transform_13, window_bounds = array<i64: 40960>}, {transform_indices = @transform_14, window_bounds = array<i64: 40960>}, {transform_indices = @transform_15, window_bounds = array<i64: 40960>}, {transform_indices = @transform_16, window_bounds = array<i64: 40960>}, {transform_indices = @transform_17, window_bounds = array<i64: 40960>}, {transform_indices = @transform_18, window_bounds = array<i64: 40960>}, {transform_indices = @transform_19, window_bounds = array<i64: 40960>}, {transform_indices = @transform_20, window_bounds = array<i64: 40960>}, {transform_indices = @transform_21, window_bounds = array<i64: 40960>}, {transform_indices = @transform_22, window_bounds = array<i64: 40960>}, {transform_indices = @transform_23, window_bounds = array<i64: 40960>}, {transform_indices = @transform_24, window_bounds = array<i64: 40960>}, {transform_indices = @transform_25, window_bounds = array<i64: 40960>}, {transform_indices = @transform_26, window_bounds = array<i64: 40960>}, {transform_indices = @transform_27, window_bounds = array<i64: 40960>}, {transform_indices = @transform_28, window_bounds = array<i64: 40960>}, {transform_indices = @transform_29, window_bounds = array<i64: 40960>}, {transform_indices = @transform_30, window_bounds = array<i64: 40960>}, {transform_indices = @transform_31, window_bounds = array<i64: 40960>}, {transform_indices = @transform_32, window_bounds = array<i64: 40960>}, {pipeline_mode = #tpu.pipeline_mode<synchronous>, transform_indices = @transform_33, window_bounds = array<i64: 1>}]} {
    %get3A = arith.constant 0 : index
    %get3A_0 = vector.load %arg1[%get3A] : memref<40960xf32, #tpu.memory_space<vmem>>, vector<40960xf32>
    %get3A_1 = arith.constant 0 : index
    %get3A_2 = vector.load %arg2[%get3A_1] : memref<40960xf32, #tpu.memory_space<vmem>>, vector<40960xf32>
    %add3A = arith.addf %get3A_0, %get3A_2 : vector<40960xf32>
    %get3A_3 = arith.constant 0 : index
    %get3A_4 = vector.load %arg3[%get3A_3] : memref<40960xf32, #tpu.memory_space<vmem>>, vector<40960xf32>
    %add3A_5 = arith.addf %add3A, %get3A_4 : vector<40960xf32>
    %get3A_6 = arith.constant 0 : index
    %get3A_7 = vector.load %arg4[%get3A_6] : memref<40960xf32, #tpu.memory_space<vmem>>, vector<40960xf32>
    %add3A_8 = arith.addf %add3A_5, %get3A_7 : vector<40960xf32>
    %get3A_9 = arith.constant 0 : index
    %get3A_10 = vector.load %arg5[%get3A_9] : memref<40960xf32, #tpu.memory_space<vmem>>, vector<40960xf32>
    %add3A_11 = arith.addf %add3A_8, %get3A_10 : vector<40960xf32>
    %get3A_12 = arith.constant 0 : index
    %get3A_13 = vector.load %arg6[%get3A_12] : memref<40960xf32, #tpu.memory_space<vmem>>, vector<40960xf32>
    %add3A_14 = arith.addf %add3A_11, %get3A_13 : vector<40960xf32>
    %get3A_15 = arith.constant 0 : index
    %get3A_16 = vector.load %arg7[%get3A_15] : memref<40960xf32, #tpu.memory_space<vmem>>, vector<40960xf32>
    %add3A_17 = arith.addf %add3A_14, %get3A_16 : vector<40960xf32>
    %get3A_18 = arith.constant 0 : index
    %get3A_19 = vector.load %arg8[%get3A_18] : memref<40960xf32, #tpu.memory_space<vmem>>, vector<40960xf32>
    %add3A_20 = arith.addf %add3A_17, %get3A_19 : vector<40960xf32>
    %get3A_21 = arith.constant 0 : index
    %get3A_22 = vector.load %arg9[%get3A_21] : memref<40960xf32, #tpu.memory_space<vmem>>, vector<40960xf32>
    %add3A_23 = arith.addf %add3A_20, %get3A_22 : vector<40960xf32>
    %get3A_24 = arith.constant 0 : index
    %get3A_25 = vector.load %arg10[%get3A_24] : memref<40960xf32, #tpu.memory_space<vmem>>, vector<40960xf32>
    %add3A_26 = arith.addf %add3A_23, %get3A_25 : vector<40960xf32>
    %get3A_27 = arith.constant 0 : index
    %get3A_28 = vector.load %arg11[%get3A_27] : memref<40960xf32, #tpu.memory_space<vmem>>, vector<40960xf32>
    %add3A_29 = arith.addf %add3A_26, %get3A_28 : vector<40960xf32>
    %get3A_30 = arith.constant 0 : index
    %get3A_31 = vector.load %arg12[%get3A_30] : memref<40960xf32, #tpu.memory_space<vmem>>, vector<40960xf32>
    %add3A_32 = arith.addf %add3A_29, %get3A_31 : vector<40960xf32>
    %get3A_33 = arith.constant 0 : index
    %get3A_34 = vector.load %arg13[%get3A_33] : memref<40960xf32, #tpu.memory_space<vmem>>, vector<40960xf32>
    %add3A_35 = arith.addf %add3A_32, %get3A_34 : vector<40960xf32>
    %get3A_36 = arith.constant 0 : index
    %get3A_37 = vector.load %arg14[%get3A_36] : memref<40960xf32, #tpu.memory_space<vmem>>, vector<40960xf32>
    %add3A_38 = arith.addf %add3A_35, %get3A_37 : vector<40960xf32>
    %get3A_39 = arith.constant 0 : index
    %get3A_40 = vector.load %arg15[%get3A_39] : memref<40960xf32, #tpu.memory_space<vmem>>, vector<40960xf32>
    %add3A_41 = arith.addf %add3A_38, %get3A_40 : vector<40960xf32>
    %get3A_42 = arith.constant 0 : index
    %get3A_43 = vector.load %arg16[%get3A_42] : memref<40960xf32, #tpu.memory_space<vmem>>, vector<40960xf32>
    %add3A_44 = arith.addf %add3A_41, %get3A_43 : vector<40960xf32>
    %get3A_45 = arith.constant 0 : index
    %get3A_46 = vector.load %arg17[%get3A_45] : memref<40960xf32, #tpu.memory_space<vmem>>, vector<40960xf32>
    %add3A_47 = arith.addf %add3A_44, %get3A_46 : vector<40960xf32>
    %get3A_48 = arith.constant 0 : index
    %get3A_49 = vector.load %arg18[%get3A_48] : memref<40960xf32, #tpu.memory_space<vmem>>, vector<40960xf32>
    %add3A_50 = arith.addf %add3A_47, %get3A_49 : vector<40960xf32>
    %get3A_51 = arith.constant 0 : index
    %get3A_52 = vector.load %arg19[%get3A_51] : memref<40960xf32, #tpu.memory_space<vmem>>, vector<40960xf32>
    %add3A_53 = arith.addf %add3A_50, %get3A_52 : vector<40960xf32>
    %get3A_54 = arith.constant 0 : index
    %get3A_55 = vector.load %arg20[%get3A_54] : memref<40960xf32, #tpu.memory_space<vmem>>, vector<40960xf32>
    %add3A_56 = arith.addf %add3A_53, %get3A_55 : vector<40960xf32>
    %get3A_57 = arith.constant 0 : index
    %get3A_58 = vector.load %arg21[%get3A_57] : memref<40960xf32, #tpu.memory_space<vmem>>, vector<40960xf32>
    %add3A_59 = arith.addf %add3A_56, %get3A_58 : vector<40960xf32>
    %get3A_60 = arith.constant 0 : index
    %get3A_61 = vector.load %arg22[%get3A_60] : memref<40960xf32, #tpu.memory_space<vmem>>, vector<40960xf32>
    %add3A_62 = arith.addf %add3A_59, %get3A_61 : vector<40960xf32>
    %get3A_63 = arith.constant 0 : index
    %get3A_64 = vector.load %arg23[%get3A_63] : memref<40960xf32, #tpu.memory_space<vmem>>, vector<40960xf32>
    %add3A_65 = arith.addf %add3A_62, %get3A_64 : vector<40960xf32>
    %get3A_66 = arith.constant 0 : index
    %get3A_67 = vector.load %arg24[%get3A_66] : memref<40960xf32, #tpu.memory_space<vmem>>, vector<40960xf32>
    %add3A_68 = arith.addf %add3A_65, %get3A_67 : vector<40960xf32>
    %get3A_69 = arith.constant 0 : index
    %get3A_70 = vector.load %arg25[%get3A_69] : memref<40960xf32, #tpu.memory_space<vmem>>, vector<40960xf32>
    %add3A_71 = arith.addf %add3A_68, %get3A_70 : vector<40960xf32>
    %get3A_72 = arith.constant 0 : index
    %get3A_73 = vector.load %arg26[%get3A_72] : memref<40960xf32, #tpu.memory_space<vmem>>, vector<40960xf32>
    %add3A_74 = arith.addf %add3A_71, %get3A_73 : vector<40960xf32>
    %get3A_75 = arith.constant 0 : index
    %get3A_76 = vector.load %arg27[%get3A_75] : memref<40960xf32, #tpu.memory_space<vmem>>, vector<40960xf32>
    %add3A_77 = arith.addf %add3A_74, %get3A_76 : vector<40960xf32>
    %get3A_78 = arith.constant 0 : index
    %get3A_79 = vector.load %arg28[%get3A_78] : memref<40960xf32, #tpu.memory_space<vmem>>, vector<40960xf32>
    %add3A_80 = arith.addf %add3A_77, %get3A_79 : vector<40960xf32>
    %get3A_81 = arith.constant 0 : index
    %get3A_82 = vector.load %arg29[%get3A_81] : memref<40960xf32, #tpu.memory_space<vmem>>, vector<40960xf32>
    %add3A_83 = arith.addf %add3A_80, %get3A_82 : vector<40960xf32>
    %get3A_84 = arith.constant 0 : index
    %get3A_85 = vector.load %arg30[%get3A_84] : memref<40960xf32, #tpu.memory_space<vmem>>, vector<40960xf32>
    %add3A_86 = arith.addf %add3A_83, %get3A_85 : vector<40960xf32>
    %get3A_87 = arith.constant 0 : index
    %get3A_88 = vector.load %arg31[%get3A_87] : memref<40960xf32, #tpu.memory_space<vmem>>, vector<40960xf32>
    %add3A_89 = arith.addf %add3A_86, %get3A_88 : vector<40960xf32>
    %get3A_90 = arith.constant 0 : index
    %get3A_91 = vector.load %arg32[%get3A_90] : memref<40960xf32, #tpu.memory_space<vmem>>, vector<40960xf32>
    %add3A_92 = arith.addf %add3A_89, %get3A_91 : vector<40960xf32>
    %neg3A = arith.constant 0.000000e+00 : f32
    %neg3A_93 = vector.broadcast %neg3A : f32 to vector<40960xf32>
    %neg3A_94 = arith.subf %neg3A_93, %add3A_92 : vector<40960xf32>
    %max3A = arith.constant 1.00000012 : f32
    %max3A_95 = vector.broadcast %max3A : f32 to vector<40960xf32>
    %max3A_96 = arith.maximumf %neg3A_94, %max3A_95 : vector<40960xf32>
    %mul3A = arith.mulf %max3A_96, %max3A_96 : vector<40960xf32>
    %sub3A = arith.constant 1.000000e+00 : f32
    %sub3A_97 = vector.broadcast %sub3A : f32 to vector<40960xf32>
    %sub3A_98 = arith.subf %mul3A, %sub3A_97 : vector<40960xf32>
    %sqrt3A = math.sqrt %sub3A_98 : vector<40960xf32>
    %add3A_99 = arith.addf %max3A_96, %sqrt3A : vector<40960xf32>
    %log3A = math.log %add3A_99 : vector<40960xf32>
    %gt3A = arith.constant 1.000000e+01 : f32
    %gt3A_100 = vector.broadcast %gt3A : f32 to vector<40960xf32>
    %gt3A_101 = arith.cmpf ogt, %log3A, %gt3A_100 : vector<40960xf32>
    %sub3A_102 = arith.constant 0.693147182 : f32
    %sub3A_103 = vector.broadcast %sub3A_102 : f32 to vector<40960xf32>
    %sub3A_104 = arith.subf %log3A, %sub3A_103 : vector<40960xf32>
    %log3A_105 = math.log %max3A_96 : vector<40960xf32>
    %select_n3A = arith.select %gt3A_101, %sub3A_104, %log3A_105 : vector<40960xi1>, vector<40960xf32>
    %mul3A_106 = arith.constant 40960 : i32
    %mul3A_107 = arith.muli %arg0, %mul3A_106 : i32
    %iota3A = tpu.iota {dimensions = array<i32: 1>} : vector<1x40960xi32>
    %iota3A_108 = vector.shape_cast %iota3A : vector<1x40960xi32> to vector<40960xi32>
    %add3A_109 = vector.broadcast %mul3A_107 : i32 to vector<40960xi32>
    %add3A_110 = arith.addi %add3A_109, %iota3A_108 : vector<40960xi32>
    %lt3A = arith.constant 320000 : i32
    %lt3A_111 = vector.broadcast %lt3A : i32 to vector<40960xi32>
    %lt3A_112 = arith.cmpi slt, %add3A_110, %lt3A_111 : vector<40960xi32>
    %div3A = arith.divf %sqrt3A, %max3A_96 : vector<40960xf32>
    %neg3A_113 = arith.constant 0.000000e+00 : f32
    %neg3A_114 = vector.broadcast %neg3A_113 : f32 to vector<40960xf32>
    %neg3A_115 = arith.subf %neg3A_114, %div3A : vector<40960xf32>
    %add3A_116 = arith.constant 9.99999971E-10 : f32
    %add3A_117 = vector.broadcast %add3A_116 : f32 to vector<40960xf32>
    %add3A_118 = arith.addf %sqrt3A, %add3A_117 : vector<40960xf32>
    %div3A_119 = arith.divf %neg3A_115, %add3A_118 : vector<40960xf32>
    %jit3A = arith.constant 0.000000e+00 : f32
    %broadcast_in_dim3A = vector.broadcast %jit3A : f32 to vector<40960xf32>
    %select_n3A_120 = arith.select %lt3A_112, %div3A_119, %broadcast_in_dim3A : vector<40960xi1>, vector<40960xf32>
    %swap3A = arith.constant 0 : index
    %swap3A_121 = vector.load %arg33[%swap3A] : memref<40960xf32, #tpu.memory_space<vmem>>, vector<40960xf32>
    tpu.vector_store %arg33[%swap3A], %select_n3A_120 {strides = array<i32>} : memref<40960xf32, #tpu.memory_space<vmem>>, vector<40960xf32>,
    %eq3A = arith.constant 0 : i32
    %eq3A_122 = arith.cmpi eq, %arg0, %eq3A : i32
    %convert_element_type3A = arith.extui %eq3A_122 : i1 to i32
    %cond3A = arith.constant 0 : i32
    %cond3A_123 = arith.cmpi ne, %convert_element_type3A, %cond3A : i32
    scf.if %cond3A_123 {
      %broadcast_in_dim3A_136 = arith.constant 0.000000e+00 : f32
      %broadcast_in_dim3A_137 = vector.broadcast %broadcast_in_dim3A_136 : f32 to vector<1xf32>
      %swap3A_138 = arith.constant 0 : index
      %swap3A_139 = vector.load %arg34[%swap3A_138] : memref<1xf32, #tpu.memory_space<vmem>>, vector<1xf32>
      tpu.vector_store %arg34[%swap3A_138], %broadcast_in_dim3A_137 {strides = array<i32>} : memref<1xf32, #tpu.memory_space<vmem>>, vector<1xf32>,
    } else {
    }
    %get3A_124 = arith.constant 0 : index
    %get3A_125 = vector.load %arg34[%get3A_124] : memref<1xf32, #tpu.memory_space<vmem>>, vector<1xf32>
    %jit3A_126 = arith.constant 0.000000e+00 : f32
    %broadcast_in_dim3A_127 = vector.broadcast %jit3A_126 : f32 to vector<40960xf32>
    %select_n3A_128 = arith.select %lt3A_112, %select_n3A, %broadcast_in_dim3A_127 : vector<40960xi1>, vector<40960xf32>
    %reduce_sum3A = vector.shape_cast %select_n3A_128 : vector<40960xf32> to vector<1x40960xf32>
    %reduce_sum3A_129 = arith.constant dense<0.000000e+00> : vector<1xf32>
    %reduce_sum3A_130 = vector.multi_reduction <add>, %reduce_sum3A, %reduce_sum3A_129 [1] : vector<1x40960xf32> to vector<1xf32>
    %reduce_sum3A_131 = vector.shape_cast %reduce_sum3A_130 : vector<1xf32> to vector<1x1xf32>
    %reduce_sum3A_132 = vector.extract %reduce_sum3A_131[0, 0] : f32 from vector<1x1xf32>
    %reshape3A = vector.broadcast %reduce_sum3A_132 : f32 to vector<1xf32>
    %add3A_133 = arith.addf %get3A_125, %reshape3A : vector<1xf32>
    %swap3A_134 = arith.constant 0 : index
    %swap3A_135 = vector.load %arg34[%swap3A_134] : memref<1xf32, #tpu.memory_space<vmem>>, vector<1xf32>
    tpu.vector_store %arg34[%swap3A_134], %add3A_133 {strides = array<i32>} : memref<1xf32, #tpu.memory_space<vmem>>, vector<1xf32>,
    return
  }
  func.func @transform_0(%arg0: i32) -> i32 {
    %add3A = arith.constant 0 : i32
    %add3A_0 = arith.addi %add3A, %arg0 : i32
    %c0_i32 = arith.constant 0 : i32
    return %add3A_0 : i32
  }
  func.func @transform_1(%arg0: i32) -> i32 {
    %add3A = arith.constant 8 : i32
    %add3A_0 = arith.addi %add3A, %arg0 : i32
    %c0_i32 = arith.constant 0 : i32
    return %add3A_0 : i32
  }
  func.func @transform_2(%arg0: i32) -> i32 {
    %add3A = arith.constant 16 : i32
    %add3A_0 = arith.addi %add3A, %arg0 : i32
    %c0_i32 = arith.constant 0 : i32
    return %add3A_0 : i32
  }
  func.func @transform_3(%arg0: i32) -> i32 {
    %add3A = arith.constant 24 : i32
    %add3A_0 = arith.addi %add3A, %arg0 : i32
    %c0_i32 = arith.constant 0 : i32
    return %add3A_0 : i32
  }
  func.func @transform_4(%arg0: i32) -> i32 {
    %add3A = arith.constant 32 : i32
    %add3A_0 = arith.addi %add3A, %arg0 : i32
    %c0_i32 = arith.constant 0 : i32
    return %add3A_0 : i32
  }
  func.func @transform_5(%arg0: i32) -> i32 {
    %add3A = arith.constant 40 : i32
    %add3A_0 = arith.addi %add3A, %arg0 : i32
    %c0_i32 = arith.constant 0 : i32
    return %add3A_0 : i32
  }
  func.func @transform_6(%arg0: i32) -> i32 {
    %add3A = arith.constant 48 : i32
    %add3A_0 = arith.addi %add3A, %arg0 : i32
    %c0_i32 = arith.constant 0 : i32
    return %add3A_0 : i32
  }
  func.func @transform_7(%arg0: i32) -> i32 {
    %add3A = arith.constant 56 : i32
    %add3A_0 = arith.addi %add3A, %arg0 : i32
    %c0_i32 = arith.constant 0 : i32
    return %add3A_0 : i32
  }
  func.func @transform_8(%arg0: i32) -> i32 {
    %add3A = arith.constant 64 : i32
    %add3A_0 = arith.addi %add3A, %arg0 : i32
    %c0_i32 = arith.constant 0 : i32
    return %add3A_0 : i32
  }
  func.func @transform_9(%arg0: i32) -> i32 {
    %add3A = arith.constant 72 : i32
    %add3A_0 = arith.addi %add3A, %arg0 : i32
    %c0_i32 = arith.constant 0 : i32
    return %add3A_0 : i32
  }
  func.func @transform_10(%arg0: i32) -> i32 {
    %add3A = arith.constant 80 : i32
    %add3A_0 = arith.addi %add3A, %arg0 : i32
    %c0_i32 = arith.constant 0 : i32
    return %add3A_0 : i32
  }
  func.func @transform_11(%arg0: i32) -> i32 {
    %add3A = arith.constant 88 : i32
    %add3A_0 = arith.addi %add3A, %arg0 : i32
    %c0_i32 = arith.constant 0 : i32
    return %add3A_0 : i32
  }
  func.func @transform_12(%arg0: i32) -> i32 {
    %add3A = arith.constant 96 : i32
    %add3A_0 = arith.addi %add3A, %arg0 : i32
    %c0_i32 = arith.constant 0 : i32
    return %add3A_0 : i32
  }
  func.func @transform_13(%arg0: i32) -> i32 {
    %add3A = arith.constant 104 : i32
    %add3A_0 = arith.addi %add3A, %arg0 : i32
    %c0_i32 = arith.constant 0 : i32
    return %add3A_0 : i32
  }
  func.func @transform_14(%arg0: i32) -> i32 {
    %add3A = arith.constant 112 : i32
    %add3A_0 = arith.addi %add3A, %arg0 : i32
    %c0_i32 = arith.constant 0 : i32
    return %add3A_0 : i32
  }
  func.func @transform_15(%arg0: i32) -> i32 {
    %add3A = arith.constant 120 : i32
    %add3A_0 = arith.addi %add3A, %arg0 : i32
    %c0_i32 = arith.constant 0 : i32
    return %add3A_0 : i32
  }
  func.func @transform_16(%arg0: i32) -> i32 {
    %add3A = arith.constant 128 : i32
    %add3A_0 = arith.addi %add3A, %arg0 : i32
    %c0_i32 = arith.constant 0 : i32
    return %add3A_0 : i32
  }
  func.func @transform_17(%arg0: i32) -> i32 {
    %add3A = arith.constant 136 : i32
    %add3A_0 = arith.addi %add3A, %arg0 : i32
    %c0_i32 = arith.constant 0 : i32
    return %add3A_0 : i32
  }
  func.func @transform_18(%arg0: i32) -> i32 {
    %add3A = arith.constant 144 : i32
    %add3A_0 = arith.addi %add3A, %arg0 : i32
    %c0_i32 = arith.constant 0 : i32
    return %add3A_0 : i32
  }
  func.func @transform_19(%arg0: i32) -> i32 {
    %add3A = arith.constant 152 : i32
    %add3A_0 = arith.addi %add3A, %arg0 : i32
    %c0_i32 = arith.constant 0 : i32
    return %add3A_0 : i32
  }
  func.func @transform_20(%arg0: i32) -> i32 {
    %add3A = arith.constant 160 : i32
    %add3A_0 = arith.addi %add3A, %arg0 : i32
    %c0_i32 = arith.constant 0 : i32
    return %add3A_0 : i32
  }
  func.func @transform_21(%arg0: i32) -> i32 {
    %add3A = arith.constant 168 : i32
    %add3A_0 = arith.addi %add3A, %arg0 : i32
    %c0_i32 = arith.constant 0 : i32
    return %add3A_0 : i32
  }
  func.func @transform_22(%arg0: i32) -> i32 {
    %add3A = arith.constant 176 : i32
    %add3A_0 = arith.addi %add3A, %arg0 : i32
    %c0_i32 = arith.constant 0 : i32
    return %add3A_0 : i32
  }
  func.func @transform_23(%arg0: i32) -> i32 {
    %add3A = arith.constant 184 : i32
    %add3A_0 = arith.addi %add3A, %arg0 : i32
    %c0_i32 = arith.constant 0 : i32
    return %add3A_0 : i32
  }
  func.func @transform_24(%arg0: i32) -> i32 {
    %add3A = arith.constant 192 : i32
    %add3A_0 = arith.addi %add3A, %arg0 : i32
    %c0_i32 = arith.constant 0 : i32
    return %add3A_0 : i32
  }
  func.func @transform_25(%arg0: i32) -> i32 {
    %add3A = arith.constant 200 : i32
    %add3A_0 = arith.addi %add3A, %arg0 : i32
    %c0_i32 = arith.constant 0 : i32
    return %add3A_0 : i32
  }
  func.func @transform_26(%arg0: i32) -> i32 {
    %add3A = arith.constant 208 : i32
    %add3A_0 = arith.addi %add3A, %arg0 : i32
    %c0_i32 = arith.constant 0 : i32
    return %add3A_0 : i32
  }
  func.func @transform_27(%arg0: i32) -> i32 {
    %add3A = arith.constant 216 : i32
    %add3A_0 = arith.addi %add3A, %arg0 : i32
    %c0_i32 = arith.constant 0 : i32
    return %add3A_0 : i32
  }
  func.func @transform_28(%arg0: i32) -> i32 {
    %add3A = arith.constant 224 : i32
    %add3A_0 = arith.addi %add3A, %arg0 : i32
    %c0_i32 = arith.constant 0 : i32
    return %add3A_0 : i32
  }
  func.func @transform_29(%arg0: i32) -> i32 {
    %add3A = arith.constant 232 : i32
    %add3A_0 = arith.addi %add3A, %arg0 : i32
    %c0_i32 = arith.constant 0 : i32
    return %add3A_0 : i32
  }
  func.func @transform_30(%arg0: i32) -> i32 {
    %add3A = arith.constant 240 : i32
    %add3A_0 = arith.addi %add3A, %arg0 : i32
    %c0_i32 = arith.constant 0 : i32
    return %add3A_0 : i32
  }
  func.func @transform_31(%arg0: i32) -> i32 {
    %add3A = arith.constant 248 : i32
    %add3A_0 = arith.addi %add3A, %arg0 : i32
    %c0_i32 = arith.constant 0 : i32
    return %add3A_0 : i32
  }
  func.func @transform_32(%arg0: i32) -> i32 {
    %c0_i32 = arith.constant 0 : i32
    return %arg0 : i32
  }
  func.func @transform_33(%arg0: i32) -> i32 {
    %c0_i32 = arith.constant 0 : i32
    %c0_i32_0 = arith.constant 0 : i32
    return %c0_i32 : i32
  }
}

</mosaic_0001>

<sc_bundles>
// kernel: kernel.5.cloned.1.call-start
scs
__scs_entry_jumppad:
0x0: {  	(pc) =	sbr.rel $0x88, $3  }
0x1: {  	(tag) =	ssettag $0x0;
	lr =	simm.s32 $0x1  }
0x2: {  	[smem:$0x3F9F] =	sst lr;
	_ =	strace $0xD0000000  }
0x3: {  	_ = 	snop  }
0x4: {  	_ = 	snop  }
0x5: {  	_ = 	snop  }
0x6: {  	_ = 	snop  }
0x7: {  	_ = 	snop  }
__scs_overlays_trampoline_lowered:
0x8: {  	[smem:$0x3FAE] =	sst s0  }
0x9: {  	[smem:$0x3FAF] =	sst s1  }
0xa: {  	[smem:$0x3FB0] =	sst s2  }
0xb: {  	[smem:$0x3FB1] =	sst s3  }
0xc: {  	[smem:$0x3FB2] =	sst s4  }
0xd: {  	[smem:$0x3FB3] =	sst s5  }
0xe: {  	[smem:$0x3FB4] =	sst s6  }
0xf: {  	[smem:$0x3FB5] =	sst s7  }
0x10: {  	[smem:$0x3FB6] =	sst s8  }
0x11: {  	[smem:$0x3FB7] =	sst s9;
	s0 =	simm.s32 @!p0 $0x0  }
0x12: {  	s1 =	sld [smem:$0x3F9D];
	s0 =	simm.s32 @p0 $0x1  }
0x13: {  	[smem:$0x3FB8] =	sst s0;
	s0 =	simm.s32 @!p1 $0x0  }
0x14: {  	s2 =	sld [smem:$0x3F9C];
	s0 =	simm.s32 @p1 $0x1  }
0x15: {  	[smem:$0x3FB9] =	sst s0;
	s0 =	simm.s32 @!p2 $0x0  }
0x16: {  	s3 =	sld [smem:$0x3FDB];
	s0 =	simm.s32 @p2 $0x1  }
0x17: {  	s4 =	simm.s32 $0x1BF5;
	[smem:$0x3FBB] =	sst s0  }
0x18: {  	s0 =	sld [smem:$0x3F9E];
	_ =	swait.ge [sflag:s4], $0x0  }
0x19: {  	s7 =	sld [smem:$0x3F9F]  }
0x1a: {  	s8 =	sadd.s32 $0xFFFFE003, lr  }
0x1b: {  	s9 =	sadd.s32 $0xFFFFFEF7, lr;
	s5 =	simm.s32 $0xFFFFFFFF;
	p2 =	slt.u32 s8, $0xFFFFF086  }
0x1c: {  	p1 =	slt.u32 s9, $0xF7A;
	s5 =	simm.s32 @!p2 $0x0  }
0x1d: {  	s5 =	simm.s32 @p1 $0x1;
	p0 =	seq.s32 s7, s2  }
0x1e: {  	s7 =	smul.u32 @!p0 $0xF7A, s2;
	p2 =	seq.s32 @!p0 s5, $0x0  }
0x1f: {  	s9 =	smul.u32 $0xF7A, s1;
	s8 =	simm.s32 @!p0 $0x1BF5;
	p2 =	por !p2, p0  }
0x20: {  	[sflag:s8] =	ssyncset.s32 @!p0 $0xFFFFF086;
	s6 =	sadd.s32 @!p0 s3, s7;
	s7 =	simm.s32 @!p0 $0x108  }
0x21: {  	s3 =	sadd.s32 s3, s9;
	s6 =	sadd.s32 @!p0 $0x88, s6;
	s7 =	simm.s32 @p2 $0x1082  }
0x22: {  	[simem:s7], [sflag:s8] =	dma.local @!p0 [hbm:s6], $0xF7A  }
0x23: {  	s9 =	sor.u32 $0xD0000000, s2;
	s6 =	simm.s32 $0x108;
	_ =	swait.ge @!p0 [sflag:s8], $0x0  }
0x24: {  	s3 =	sadd.s32 $0x88, s3;
	s6 =	simm.s32 @!p1 $0x1082;
	[sflag:s4] =	ssyncset.s32 $0xFFFFF086  }
0x25: {  	[simem:s6], [sflag:s4] =	dma.local [hbm:s3], $0xF7A  }
0x26: {  	[smem:$0x3F9F] =	sst s1;
	(tag) =	ssettag s2;
	_ =	strace s9  }
0x27: {  	s1 =	sld [smem:$0x3FAF]  }
0x28: {  	s2 =	sld [smem:$0x3FB0]  }
0x29: {  	s4 =	sld [smem:$0x3FB2]  }
0x2a: {  	p0 =	seq.s32 s5, $0x0;
	s5 =	sld [smem:$0x3FB3]  }
0x2b: {  	s6 =	sld [smem:$0x3FB4]  }
0x2c: {  	s7 =	sld [smem:$0x3FB5]  }
0x2d: {  	s3 =	simm.s32 $0x108;
	s8 =	sld [smem:$0x3FB6]  }
0x2e: {  	s3 =	simm.s32 @!p0 $0x1082;
	s9 =	sld [smem:$0x3FB7]  }
0x2f: {  	lr =	sadd.s32 s0, s3;
	s0 =	sld [smem:$0x3FAE]  }
0x30: {  	s3 =	sld [smem:$0x3FB1]  }
0x31: {  	[smem:$0x3FBA] =	sst s10  }
0x32: {  	s10 =	sld [smem:$0x3FB8];
	_ =	sdelay $0x3  }
0x33: {  	p0 =	seq.s32 s10, $0x1;
	s10 =	sld [smem:$0x3FBA];
	_ =	sdelay $0x3  }
0x34: {  	[smem:$0x3FBA] =	sst s10  }
0x35: {  	s10 =	sld [smem:$0x3FB9];
	_ =	sdelay $0x3  }
0x36: {  	p1 =	seq.s32 s10, $0x1;
	s10 =	sld [smem:$0x3FBA];
	_ =	sdelay $0x3  }
0x37: {  	[smem:$0x3FBA] =	sst s10  }
0x38: {  	s10 =	sld [smem:$0x3FBB]  }
0x39: {  	_ = 	snop;
	(pc) =	sbr.ind lr, $3  }
0x3a: {  	_ = 	snop  }
0x3b: {  	_ = 	snop  }
0x3c: {  	p2 =	seq.s32 s10, $0x1;
	s10 =	sld [smem:$0x3FBA]  }
0x3d: {  	_ =	shalt  }
0x3e: {  	_ =	shalt  }
0x3f: {  	_ =	shalt  }
0x40: {  	_ =	shalt  }
0x41: {  	_ =	shalt  }
0x42: {  	_ =	shalt  }
0x43: {  	_ =	shalt  }
0x44: {  	_ =	shalt  }
0x45: {  	_ =	shalt  }
0x46: {  	_ =	shalt  }
0x47: {  	_ =	shalt  }
0x48: {  	_ =	shalt  }
0x49: {  	_ =	shalt  }
0x4a: {  	_ =	shalt  }
0x4b: {  	_ =	shalt  }
0x4c: {  	_ =	shalt  }
0x4d: {  	_ =	shalt  }
0x4e: {  	_ =	shalt  }
0x4f: {  	_ =	shalt  }
0x50: {  	_ =	shalt  }
0x51: {  	_ =	shalt  }
0x52: {  	_ =	shalt  }
0x53: {  	_ =	shalt  }
0x54: {  	_ =	shalt  }
0x55: {  	_ =	shalt  }
0x56: {  	_ =	shalt  }
0x57: {  	_ =	shalt  }
0x58: {  	_ =	shalt  }
0x59: {  	_ =	shalt  }
0x5a: {  	_ =	shalt  }
0x5b: {  	_ =	shalt  }
0x5c: {  	_ =	shalt  }
0x5d: {  	_ =	shalt  }
0x5e: {  	_ =	shalt  }
0x5f: {  	_ =	shalt  }
0x60: {  	_ =	shalt  }
0x61: {  	_ =	shalt  }
0x62: {  	_ =	shalt  }
0x63: {  	_ =	shalt  }
0x64: {  	_ =	shalt  }
0x65: {  	_ =	shalt  }
0x66: {  	_ =	shalt  }
0x67: {  	_ =	shalt  }
0x68: {  	_ =	shalt  }
0x69: {  	_ =	shalt  }
0x6a: {  	_ =	shalt  }
0x6b: {  	_ =	shalt  }
0x6c: {  	_ =	shalt  }
0x6d: {  	_ =	shalt  }
0x6e: {  	_ =	shalt  }
0x6f: {  	_ =	shalt  }
0x70: {  	_ =	shalt  }
0x71: {  	_ =	shalt  }
0x72: {  	_ =	shalt  }
0x73: {  	_ =	shalt  }
0x74: {  	_ =	shalt  }
0x75: {  	_ =	shalt  }
0x76: {  	_ =	shalt  }
0x77: {  	_ =	shalt  }
0x78: {  	_ =	shalt  }
0x79: {  	_ =	shalt  }
0x7a: {  	_ =	shalt  }
0x7b: {  	_ =	shalt  }
0x7c: {  	_ =	shalt  }
0x7d: {  	_ =	shalt  }
0x7e: {  	_ =	shalt  }
0x7f: {  	_ =	shalt  }
0x80: {  	_ =	shalt  }
0x81: {  	_ =	shalt  }
0x82: {  	_ =	shalt  }
0x83: {  	_ =	shalt  }
0x84: {  	_ =	shalt  }
0x85: {  	_ =	shalt  }
0x86: {  	_ =	shalt  }
0x87: {  	_ =	shalt  }
.Lfunc_end0:
.L_simem_size_0:
called_computation_lowered:
.L_overlay_start_0:
0x88: {  	s2 =	sld [smem:$0x3FD9]  }
0x89: {  	s3 =	sld [smem:$0x3FFE];
	_ =	sdelay $0x1  }
0x8a: {  	s1 =	srdreg.scid  }
0x8b: {  	s0 =	sand.u32 $0x1, s1  }
0x8c: {  	s16 =	sshll.u32 s0, $0xA;
	s2 =	sadd.s32 s3, s2  }
0x8d: {  	s2 =	sadd.s32 s2, s16  }
0x8e: {  	[smem:$0x3FC6] =	sst s2  }
0x8f: {  	_ = 	snop  }
0x90: {  	(tm) =	ssettm $0x1  }
0x91: {  	s17 =	sld [smem:$0x3FFB];
	_ =	sdelay $0x3  }
0x92: {  	_ =	strace s17  }
0x93: {  	s2 =	sld [smem:$0x3FFC];
	_ =	sdelay $0x3  }
0x94: {  	_ =	strace s2  }
0x95: {  	s2 =	sld [smem:$0x3FFD];
	_ =	sdelay $0x3  }
0x96: {  	_ =	strace s2  }
0x97: {  	_ =	strace $0x8FFFFFFF  }
0x98: {  	s18 =	sld [smem:$0x3FDB];
	_ =	sdelay $0x1  }
0x99: {  	s19 =	simm.s32 $_scs_section_size  }
0x9a: {  	s4 =	simm.s32 $_size__tile_overlayer_lowered;
	s5 =	simm.s32 $_tile_overlayer_lowered  }
0x9b: {  	s22 =	simm.s32 $0x1BFF;
	s21 =	sshll.u32 s5, $0x1;
	s2 =	sadd.s32 s19, s18  }
0x9c: {  	s6 =	simm.s32 $0x0;
	s20 =	sshll.u32 s4, $0x1;
	s4 =	sadd.s32 s21, s2  }
0x9d: {  	[timem:s6], [sflag:s22] =	dma.local [hbm:s4], s20  }
0x9e: {  	_ =	swait.ge [sflag:s22], s20  }
0x9f: {  	s3 =	ssub.s32 $0x0, s20;
	[sflag:s22] =	ssyncset.done $0x0  }
0xa0: {  	[sflag:s22] =	ssyncadd.s32 s3;
	_ =	sdelay $0x1  }
0xa1: {  	s23 =	simm.s32 $0x1B8B  }
0xa2: {  	_ =	swait.ge [sflag:s23], $0x1  }
0xa3: {  	[sflag:s23] =	ssyncset.done $0x0  }
0xa4: {  	s25 =	simm.s32 $0x1B8E;
	s24 =	sld [smem:$0x3FFE];
	[sflag:s23] =	ssyncadd.s32 $0xFFFFFFFF  }
0xa5: {  	s26 =	simm.s32 $execute0_lowered;
	[smem:$0x3FD2] =	sst s25  }
0xa6: {  	s4 =	sshll.u32 s26, $0x1;
	_ =	strace $0x80000046;
	[dreg:$0x1] =	wrdreg $0xFFFFFFFF  }
0xa7: {  	s28 =	simm.s32 $_size_execute0_lowered;
	s2 =	sadd.s32 s2, s4;
	[dreg:$0x0] =	wrdreg $0x0  }
0xa8: {  	s4 =	sshll.u32 s28, $0x1;
	[dreg:$0x2] =	wrdreg s2  }
0xa9: {  	[dreg:$0x3] =	wrdreg s4  }
0xaa: {  	[dreg:$0x4] =	wrdreg $0xC0  }
0xab: {  	_ =	task [dreg:s6], $0x5FFFF  }
0xac: {  	[dreg:$0x1] =	wrdreg $0xFFFFFFFF  }
0xad: {  	[dreg:$0x0] =	wrdreg $0x60  }
0xae: {  	[dreg:$0x2] =	wrdreg s24  }
0xaf: {  	[dreg:$0x3] =	wrdreg $0x9  }
0xb0: {  	_ =	task.clear_ibuf [dreg:s6], $0x4FFFF;
	_ =	strace $0x90000046  }
0xb1: {  	s29 =	simm.s32 $0x9;
	_ =	strace $0x80000048  }
0xb2: {  	_ =	swait.ge [sflag:s29], $0x1  }
0xb3: {  	[sflag:s29] =	ssyncadd.s32 $0xFFFFFFFF  }
0xb4: {  	_ =	strace $0x90000048  }
0xb5: {  	_ =	sfence  }
0xb6: {  	s30 =	sld [smem:$0x0];
	_ =	sdelay $0x2  }
0xb7: {  	s31 =	sshll.u32 s1, $0xD;
	s1 =	sshrl.u32 s1, $0x2  }
0xb8: {  	s3 =	sand.u32 $0x4000, s31;
	s1 =	sadd.s32 s1, s30  }
0xb9: {  	s0 =	sor.u32 s3, s0;
	s1 =	sshll.u32 s1, $0x11  }
0xba: {  	s0 =	sor.u32 s1, s0  }
0xbb: {  	s0 =	sadd.s32 $0x8F2B, s0  }
0xbc: {  	[sflag:s0] =	ssyncadd.remote.s32 $0x1  }
0xbd: {  	_ =	sfence.sel $0xFFFF  }
0xbe: {  	[dreg:$0x0] =	wrdreg $0xFFFFFFFF;
	(pc) =	sbr.abs _section_cstart, $3  }
0xbf: {  	[dreg:$0x1] =	wrdreg $0xFFFFFFFF  }
0xc0: {  	_ =	task.clear_ibuf [dreg:s6], $0x2FFFF;
	_ =	strace $0x9FFFFFFF  }
0xc1: {  	(tm) =	ssettm $0x7FFFFFFF  }
tec
execute0_lowered:
.L_overlay_start_1:
0x0: {  	(tag) =	ssettag $0x1  }
0x1: {  	s4 =	rddreg [dreg:$0x0]  }
0x2: {  	s0 =	rddreg [dreg:$0x1]  }
0x3: {  	s3 =	srdreg.scid;
	s1 =	stileid.u32;
	s2 =	simm.s32 $0x0  }
0x4: {  	s14 =	simm.f32 $-1.000000000e+00;
	s10 =	simm.s32 $0x3;
	s11 =	simm.s32 $0x9E00  }
0x5: {  	s12 =	simm.s32 $0xEC80;
	s13 =	simm.s32 $0x1;
	s15 =	simm.s32 $0x2  }
0x6: {  	s16 =	simm.s32 $0x0;
	s5 =	sand.u32 $0x1, s3;
	s30 =	smul.u32 $0x13C00, s1  }
0x7: {  	[smem:$0x7FF] =	sst s2;
	s3 =	sadd.s32 $0x800, s4;
	s9 =	sshll.u32 s1, $0x1  }
0x8: {  	s6 =	sshll.u32 s5, $0x9;
	_ =	strace $0x80000047;
	s7 =	ssub.s32 $0x2, s5  }
0x9: {  	s31 =	sor.u32 s5, s9;
	s9 =	simm.s32 $0x400;
	s6 =	sor.u32 s6, s30  }
0xa: {  	s8 =	sshrl.u32 s7, $0x1;
	p0 =	seq.s32 s31, $0x0;
	s6 =	sshrl.u32 s6, $0x3  }
0xb: {  	s7 =	ssub.s32 s7, s8;
	s14 =	simm.s32 @!p0 $0x3F800000;
	s8 =	simm.s32 $0x200  }
0xc: {  	s6 =	sadd.s32 s6, s4;
	s4 =	sadd.s32 $0x31E00, s4;
	s7 =	smax.u32 s7, $0x1  }
0xd: {  	v0 =	vmov s14;
	s14 =	simm.s32 $0x13B00;
	s5 =	sadd.s32 $0xA600, s6;
	s6 =	smul.u32 $0x50000, s31  }
.LBB2_1:
0xe: {  	[tilespmem:s2], [sflag:$0x3] =	stream.strided.gather [hbm4b:s5+s8], $0x9E00, s9, s8, $0x38;
	[tilespmem:$0x18980] =	vst v63  }
0xf: {  	_ =	swait.ge [sflag:s10], $0x9E00  }
0x10: {  	[sflag:s10] =	ssyncset.done $0x0  }
0x11: {  	s18 =	simm.s32 $0x0;
	[sflag:s10] =	ssyncadd.s32 $0xFFFF6200  }
0x12: {  	[tilespmem:s11], [sflag:$0x1] =	stream.linear.gather [hbm4b:s3+s2], $0x4E20, $0x38;
	[tilespmem:$0x18980] =	vst v63  }
.LBB2_2:
0x13: {  	s19 =	smul.u32 $0x9C40, s18;
	_ =	sdelay $0x1  }
0x14: {  	s17 =	sadd.s32 $0x4E20, s19  }
0x15: {  	s20 =	sshrl.u32 s17, $0x3  }
0x16: {  	s20 =	sadd.s32 s3, s20  }
0x17: {  	[tilespmem:s12], [sflag:$0x2] =	stream.linear.gather [hbm4b:s20+s2], $0x4E20, $0x38;
	[tilespmem:$0x18980] =	vst v63  }
0x18: {  	_ =	swait.ge [sflag:s13], $0x4E20  }
0x19: {  	[sflag:s13] =	ssyncset.done $0x0  }
0x1a: {  	s31 =	simm.s32 $0x9E20;
	[sflag:s13] =	ssyncadd.s32 $0xFFFFB1E0  }
0x1b: {  	v1 =	vld [tilespmem:s31+$0x10];
	_ =	sdelay $0x1  }
0x1c: {  	v2 =	vld [tilespmem:s31+$0xFFFFFFE0]  }
0x1d: {  	v5 =	vld [tilespmem:s31+$0xFFFFFFF0];
	_ =	sdelay $0x1  }
0x1e: {  	v7 =	vld [tilespmem:s31+$0x0];
	v3 =	vshrl.u32 v1, $0xE;
	v4 =	vshrl.u32 v1, $0xC;
	v6 =	vshll.u32 v1, $0x2  }
0x1f: {  	v1 =	vand.u32 $0x7F, v1;
	v3 =	vand.u32 $0x7F, v3;
	v4 =	vand.u32 $0xFFE00, v4  }
0x20: {  	v8 =	vshrl.u32 v2, $0xC;
	v3 =	vor.u32 v3, v4;
	v4 =	vand.u32 $0xFE00, v6  }
0x21: {  	v9 =	vshll.u32 v2, $0x2;
	v11 =	vshrl.u32 v5, $0xE;
	v1 =	vor.u32 v1, v4  }
0x22: {  	v12 =	vshrl.u32 v5, $0xC;
	v14 =	vshll.u32 v5, $0x2;
	v6 =	vor.u32 $0x80, v3  }
0x23: {  	v15 =	vshrl.u32 v7, $0xE;
	v18 =	vshrl.u32 v7, $0xC;
	v13 =	vor.u32 $0x100, v3  }
0x24: {  	s20 =	simm.s32 $0x0;
	v20 =	vshll.u32 v7, $0x2;
	v9 =	vand.u32 $0xFE00, v9;
	v10 =	vor.u32 $0x80, v1  }
0x25: {  	v4 =	vshrl.u32 v2, $0xE;
	v2 =	vand.u32 $0x7F, v2;
	v17 =	vor.u32 $0x100, v1;
	v16 =	vld.idx.msk [tilespmem:v3+s20+$0x0], $0xffff  }
0x26: {  	v8 =	vand.u32 $0xFFE00, v8;
	v4 =	vand.u32 $0x7F, v4;
	v2 =	vor.u32 v2, v9;
	v19 =	vld.idx.msk [tilespmem:v1+s20+$0x0], $0xffff  }
0x27: {  	v5 =	vand.u32 $0x7F, v5;
	v9 =	vand.u32 $0xFE00, v14;
	v4 =	vor.u32 v4, v8;
	v6 =	vld.idx.msk [tilespmem:v6+s20+$0x0], $0xffff  }
0x28: {  	v8 =	vand.u32 $0x7F, v11;
	v11 =	vand.u32 $0xFFE00, v12;
	v5 =	vor.u32 v5, v9;
	v12 =	vld.idx.msk [tilespmem:v13+s20+$0x0], $0xffff  }
0x29: {  	v7 =	vand.u32 $0x7F, v7;
	v9 =	vand.u32 $0xFE00, v20;
	v8 =	vor.u32 v8, v11;
	v10 =	vld.idx.msk [tilespmem:v10+s20+$0x0], $0xffff  }
0x2a: {  	v7 =	vor.u32 v7, v9;
	v13 =	vld.idx.msk [tilespmem:v17+s20+$0x0], $0xffff  }
0x2b: {  	v11 =	vand.u32 $0x7F, v15;
	v22 =	vor.u32 $0x80, v5;
	v15 =	vld.idx.msk [tilespmem:v2+s20+$0x0], $0xffff  }
0x2c: {  	v14 =	vand.u32 $0xFFE00, v18;
	v3 =	vor.u32 $0x180, v3;
	v9 =	vld.idx.msk [tilespmem:v4+s20+$0x0], $0xffff  }
0x2d: {  	v11 =	vor.u32 v11, v14;
	v21 =	vld.idx.msk [tilespmem:v5+s20+$0x0], $0xffff  }
0x2e: {  	v14 =	vor.u32 $0x80, v4;
	v18 =	vld.idx.msk [tilespmem:v8+s20+$0x0], $0xffff  }
0x2f: {  	v20 =	vor.u32 $0x80, v8;
	v25 =	vld.idx.msk [tilespmem:v7+s20+$0x0], $0xffff  }
0x30: {  	v26 =	vor.u32 $0x80, v7;
	v22 =	vld.idx.msk [tilespmem:v22+s20+$0x0], $0xffff  }
0x31: {  	v1 =	vor.u32 $0x180, v1;
	v3 =	vld.idx.msk [tilespmem:v3+s20+$0x0], $0xffff  }
0x32: {  	v62 =	vor.u32 $0x100, v11;
	v23 =	vld.idx.msk [tilespmem:v11+s20+$0x0], $0xffff  }
0x33: {  	v17 =	vor.u32 $0x80, v2;
	v14 =	vld.idx.msk [tilespmem:v14+s20+$0x0], $0xffff  }
0x34: {  	v24 =	vor.u32 $0x80, v11;
	v20 =	vld.idx.msk [tilespmem:v20+s20+$0x0], $0xffff  }
0x35: {  	v60 =	vld.idx.msk [tilespmem:v26+s20+$0x0], $0xffff  }
0x36: {  	v27 =	vor.u32 $0x100, v4;
	v4 =	vor.u32 $0x180, v4;
	v1 =	vld.idx.msk [tilespmem:v1+s20+$0x0], $0xffff  }
0x37: {  	v28 =	vor.u32 $0x100, v7;
	v7 =	vor.u32 $0x180, v7;
	v48 =	vld.idx.msk [tilespmem:v62+s20+$0x0], $0xffff  }
0x38: {  	v17 =	vld.idx.msk [tilespmem:v17+s20+$0x0], $0xffff  }
0x39: {  	s21 =	simm.s32 $0x9E60;
	v11 =	vor.u32 $0x180, v11;
	v16 =	vmul.f32 v19, v16;
	v6 =	vmul.f32 v10, v6;
	v10 =	vld.idx.msk [tilespmem:v24+s20+$0x0], $0xffff  }
0x3a: {  	v12 =	vmul.f32 v13, v12;
	v9 =	vmul.f32 v15, v9;
	v15 =	vld [tilespmem:s21+$0xFFFFFFF0]  }
0x3b: {  	v13 =	vor.u32 $0x100, v5;
	v5 =	vor.u32 $0x180, v5;
	v16 =	vmul.f32 v16, v0;
	v4 =	vld.idx.msk [tilespmem:v4+s20+$0x0], $0xffff  }
0x3c: {  	v19 =	vor.u32 $0x100, v2;
	v58 =	vld.idx.msk [tilespmem:v7+s20+$0x0], $0xffff  }
0x3d: {  	v61 =	vor.u32 $0x100, v8;
	v2 =	vor.u32 $0x180, v2;
	v6 =	vadd.f32 v6, v16;
	v16 =	vld.idx.msk [tilespmem:v27+s20+$0x0], $0xffff  }
0x3e: {  	v8 =	vor.u32 $0x180, v8;
	v9 =	vmul.f32 v9, v0;
	v20 =	vmul.f32 v22, v20;
	v56 =	vld.idx.msk [tilespmem:v11+s20+$0x0], $0xffff  }
0x3f: {  	v1 =	vmul.f32 v1, v3;
	v3 =	vld [tilespmem:s21+$0x10];
	v6 =	vadd.f32 v12, v6;
	v12 =	vmul.f32 v21, v18  }
0x40: {  	v14 =	vmul.f32 v17, v14;
	v51 =	vld.idx.msk [tilespmem:v5+s20+$0x0], $0xffff;
	v5 =	vshrl.u32 v15, $0xE;
	v29 =	vshrl.u32 v15, $0xC  }
0x41: {  	v19 =	vld.idx.msk [tilespmem:v19+s20+$0x0], $0xffff;
	v32 =	vshll.u32 v15, $0x2;
	v15 =	vand.u32 $0x7F, v15;
	v12 =	vmul.f32 v12, v0  }
0x42: {  	v2 =	vld.idx.msk [tilespmem:v2+s20+$0x0], $0xffff;
	v1 =	vadd.f32 v1, v6;
	v5 =	vand.u32 $0x7F, v5;
	v29 =	vand.u32 $0xFFE00, v29  }
0x43: {  	v18 =	vld [tilespmem:s21+$0x0];
	v6 =	vmul.f32 v25, v23;
	v32 =	vand.u32 $0xFE00, v32;
	v5 =	vor.u32 v5, v29  }
0x44: {  	v21 =	vld [tilespmem:s21+$0xFFFFFFE0];
	v55 =	vor.u32 v15, v32;
	v22 =	vshrl.u32 v3, $0xE;
	v23 =	vshrl.u32 v3, $0xC  }
0x45: {  	v63 =	vld.idx.msk [tilespmem:v13+s20+$0x0], $0xffff;
	v13 =	vand.u32 $0x7F, v22;
	v22 =	vand.u32 $0xFFE00, v23;
	v23 =	vshll.u32 v3, $0x2  }
0x46: {  	v17 =	vld.idx.msk [tilespmem:v61+s20+$0x0], $0xffff;
	v3 =	vand.u32 $0x7F, v3;
	v13 =	vor.u32 v13, v22;
	v22 =	vand.u32 $0xFE00, v23  }
0x47: {  	v10 =	vmul.f32 v60, v10;
	v6 =	vmul.f32 v6, v0;
	v23 =	vld.idx.msk [tilespmem:v28+s20+$0x0], $0xffff;
	v3 =	vor.u32 v3, v22  }
0x48: {  	v14 =	vadd.f32 v14, v9;
	v12 =	vadd.f32 v20, v12;
	v9 =	vor.u32 $0x80, v13;
	v22 =	vld.idx.msk [tilespmem:v8+s20+$0x0], $0xffff  }
0x49: {  	v59 =	vor.u32 $0x80, v5;
	v20 =	vadd.f32 v10, v6;
	v10 =	vor.u32 $0x80, v3;
	v40 =	vld.idx.msk [tilespmem:v5+s20+$0x0], $0xffff  }
0x4a: {  	v49 =	vshll.u32 v21, $0x2;
	v33 =	vshrl.u32 v18, $0xE;
	v50 =	vor.u32 $0x100, v13;
	v42 =	vld.idx.msk [tilespmem:v55+s20+$0x0], $0xffff  }
0x4b: {  	v35 =	vshrl.u32 v18, $0xC;
	v36 =	vshll.u32 v18, $0x2;
	v31 =	vor.u32 $0x100, v3;
	v30 =	vld.idx.msk [tilespmem:v13+s20+$0x0], $0xffff  }
0x4c: {  	v6 =	vshrl.u32 v21, $0xE;
	v24 =	vand.u32 $0xFE00, v49;
	v13 =	vor.u32 $0x180, v13;
	v34 =	vld.idx.msk [tilespmem:v3+s20+$0x0], $0xffff  }
0x4d: {  	v8 =	vshrl.u32 v21, $0xC;
	v21 =	vand.u32 $0x7F, v21;
	v9 =	vld.idx.msk [tilespmem:v9+s20+$0x0], $0xffff;
	v3 =	vor.u32 $0x180, v3  }
0x4e: {  	v6 =	vand.u32 $0x7F, v6;
	v8 =	vand.u32 $0xFFE00, v8;
	v21 =	vor.u32 v21, v24;
	v10 =	vld.idx.msk [tilespmem:v10+s20+$0x0], $0xffff  }
0x4f: {  	v18 =	vand.u32 $0x7F, v18;
	v53 =	vand.u32 $0xFE00, v36;
	v6 =	vor.u32 v6, v8;
	v27 =	vld.idx.msk [tilespmem:v50+s20+$0x0], $0xffff  }
0x50: {  	v61 =	vor.u32 $0x80, v55;
	v24 =	vor.u32 v18, v53;
	v18 =	vor.u32 $0x80, v21;
	v8 =	vld.idx.msk [tilespmem:v31+s20+$0x0], $0xffff  }
0x51: {  	v15 =	vor.u32 $0x100, v55;
	v57 =	vor.u32 $0x80, v6;
	v13 =	vld.idx.msk [tilespmem:v13+s20+$0x0], $0xffff;
	v54 =	vmul.f32 v34, v30  }
0x52: {  	v2 =	vmul.f32 v2, v4;
	v33 =	vand.u32 $0x7F, v33;
	v52 =	vand.u32 $0xFFE00, v35;
	v3 =	vld.idx.msk [tilespmem:v3+s20+$0x0], $0xffff  }
0x53: {  	v31 =	vor.u32 v33, v52;
	v37 =	vld.idx.msk [tilespmem:v21+s20+$0x0], $0xffff;
	v9 =	vmul.f32 v10, v9;
	v11 =	vmul.f32 v54, v0  }
0x54: {  	v17 =	vmul.f32 v63, v17;
	v41 =	vor.u32 $0x80, v24;
	v4 =	vmul.f32 v23, v48;
	v60 =	vld.idx.msk [tilespmem:v6+s20+$0x0], $0xffff  }
0x55: {  	v39 =	vor.u32 $0x100, v21;
	v63 =	vld.idx.msk [tilespmem:v18+s20+$0x0], $0xffff;
	v8 =	vmul.f32 v8, v27;
	v7 =	vadd.f32 v9, v11  }
0x56: {  	v38 =	vor.u32 $0x100, v6;
	v22 =	vmul.f32 v51, v22;
	v4 =	vadd.f32 v4, v20;
	v33 =	vld.idx.msk [tilespmem:v57+s20+$0x0], $0xffff  }
0x57: {  	v44 =	vld.idx.msk [tilespmem:v24+s20+$0x0], $0xffff;
	v62 =	vor.u32 $0x80, v31;
	v3 =	vmul.f32 v3, v13;
	v8 =	vadd.f32 v8, v7  }
0x58: {  	v43 =	vld.idx.msk [tilespmem:v31+s20+$0x0], $0xffff;
	v10 =	vor.u32 $0x180, v21;
	v21 =	vadd.f32 v17, v12;
	v17 =	vmul.f32 v42, v40  }
0x59: {  	s21 =	simm.s32 $0x13B20;
	v20 =	vmul.f32 v58, v56;
	v18 =	vld.idx.msk [tilespmem:v41+s20+$0x0], $0xffff;
	v3 =	vadd.f32 v3, v8;
	v8 =	vmul.f32 v19, v16  }
0x5a: {  	s22 =	simm.s32 $0x13B60;
	[tilespmem:s21+$0x10] =	vst v1;
	v1 =	vor.u32 $0x180, v31;
	v12 =	vld.idx.msk [tilespmem:v61+s20+$0x0], $0xffff;
	v17 =	vmul.f32 v17, v0;
	v21 =	vadd.f32 v22, v21  }
0x5b: {  	v22 =	vmul.f32 v63, v33;
	v19 =	vmul.f32 v37, v60;
	[tilespmem:s22+$0x10] =	vst v3;
	v3 =	vadd.f32 v8, v14  }
0x5c: {  	v11 =	vor.u32 $0x100, v31;
	v9 =	vor.u32 $0x100, v24;
	v13 =	vor.u32 $0x100, v5;
	v16 =	vld.idx.msk [tilespmem:v59+s20+$0x0], $0xffff  }
0x5d: {  	v23 =	vmul.f32 v44, v43;
	v8 =	vmul.f32 v19, v0;
	v14 =	vld.idx.msk [tilespmem:v62+s20+$0x0], $0xffff;
	v19 =	vadd.f32 v2, v3  }
0x5e: {  	v7 =	vor.u32 $0x180, v6;
	v6 =	vor.u32 $0x180, v5;
	v5 =	vor.u32 $0x180, v55;
	v2 =	vld.idx.msk [tilespmem:v38+s20+$0x0], $0xffff  }
0x5f: {  	s24 =	simm.s32 $0x4;
	s25 =	simm.s32 $0x9EA0;
	s23 =	simm.s32 $0x0;
	v3 =	vor.u32 $0x180, v24;
	[tilespmem:s21+$0xFFFFFFE0] =	vst v19;
	v19 =	vadd.f32 v20, v4;
	v4 =	vld.idx.msk [tilespmem:v39+s20+$0x0], $0xffff;
	v20 =	vmul.f32 v23, v0  }
.LBB2_3:
0x60: {  	v23 =	vld [tilespmem:s25+$0x10];
	[tilespmem:s21+$0xFFFFFFF0] =	vst v21  }
0x61: {  	s24 =	sadd.s32 $0x4, s24;
	v12 =	vmul.f32 v12, v16;
	v21 =	vld [tilespmem:s25+$0xFFFFFFF0];
	v8 =	vadd.f32 v22, v8;
	[tilespmem:s21+$0x0] =	vst v19;
	s21 =	smov.u32 s22  }
0x62: {  	p0 =	slt.u32 s24, $0x4DC;
	v16 =	vld [tilespmem:s25+$0x0]  }
0x63: {  	v12 =	vadd.f32 v12, v17;
	v14 =	vmul.f32 v18, v14;
	v19 =	vld [tilespmem:s25+$0xFFFFFFE0]  }
0x64: {  	v17 =	vld.idx.msk [tilespmem:v13+s23+$0x0], $0xffff  }
0x65: {  	v14 =	vadd.f32 v14, v20;
	v13 =	vshrl.u32 v23, $0xE;
	v18 =	vshrl.u32 v23, $0xC;
	v22 =	vld.idx.msk [tilespmem:v15+s23+$0x0], $0xffff  }
0x66: {  	v13 =	vand.u32 $0x7F, v13;
	v15 =	vand.u32 $0xFFE00, v18;
	v18 =	vshll.u32 v23, $0x2;
	v20 =	vld.idx.msk [tilespmem:v11+s23+$0x0], $0xffff  }
0x67: {  	v11 =	vor.u32 v13, v15;
	v13 =	vand.u32 $0x7F, v23;
	v15 =	vand.u32 $0xFE00, v18;
	v18 =	vld.idx.msk [tilespmem:v9+s23+$0x0], $0xffff  }
0x68: {  	v9 =	vshrl.u32 v19, $0xE;
	v23 =	vshrl.u32 v19, $0xC;
	v13 =	vor.u32 v13, v15;
	v24 =	vld.idx.msk [tilespmem:v7+s23+$0x0], $0xffff  }
0x69: {  	v7 =	vshll.u32 v19, $0x2;
	v15 =	vshrl.u32 v21, $0xE;
	v25 =	vor.u32 $0x80, v11;
	v26 =	vld.idx.msk [tilespmem:v10+s23+$0x0], $0xffff  }
0x6a: {  	v27 =	vshll.u32 v21, $0x2;
	v10 =	vshrl.u32 v21, $0xC;
	v28 =	vor.u32 $0x80, v13;
	v29 =	vld.idx.msk [tilespmem:v6+s23+$0x0], $0xffff  }
0x6b: {  	v30 =	vshrl.u32 v16, $0xC;
	v31 =	vor.u32 $0x100, v11;
	v6 =	vshrl.u32 v16, $0xE;
	v32 =	vld.idx.msk [tilespmem:v5+s23+$0x0], $0xffff  }
0x6c: {  	v34 =	vor.u32 $0x100, v13;
	v5 =	vand.u32 $0x7F, v9;
	v9 =	vshll.u32 v16, $0x2;
	v33 =	vld.idx.msk [tilespmem:v11+s20+$0x0], $0xffff  }
0x6d: {  	v23 =	vand.u32 $0xFFE00, v23;
	v7 =	vand.u32 $0xFE00, v7;
	v11 =	vor.u32 $0x180, v11;
	v35 =	vld.idx.msk [tilespmem:v13+s20+$0x0], $0xffff  }
0x6e: {  	v15 =	vand.u32 $0x7F, v15;
	v10 =	vand.u32 $0xFFE00, v10;
	v13 =	vor.u32 $0x180, v13;
	v25 =	vld.idx.msk [tilespmem:v25+s20+$0x0], $0xffff  }
0x6f: {  	v27 =	vand.u32 $0xFE00, v27;
	v30 =	vand.u32 $0xFFE00, v30;
	v6 =	vand.u32 $0x7F, v6;
	v28 =	vld.idx.msk [tilespmem:v28+s20+$0x0], $0xffff  }
0x70: {  	v19 =	vand.u32 $0x7F, v19;
	v21 =	vand.u32 $0x7F, v21;
	v9 =	vand.u32 $0xFE00, v9;
	v31 =	vld.idx.msk [tilespmem:v31+s20+$0x0], $0xffff  }
0x71: {  	v19 =	vor.u32 v19, v7;
	v7 =	vand.u32 $0x7F, v16;
	v5 =	vor.u32 v5, v23;
	v16 =	vld.idx.msk [tilespmem:v34+s20+$0x0], $0xffff  }
0x72: {  	v21 =	vor.u32 v21, v27;
	v23 =	vor.u32 v15, v10;
	v27 =	vor.u32 v6, v30;
	v6 =	vld.idx.msk [tilespmem:v11+s20+$0x0], $0xffff  }
0x73: {  	v30 =	vor.u32 $0x80, v5;
	v34 =	vor.u32 v7, v9;
	v7 =	vmul.f32 v35, v33;
	v10 =	vld.idx.msk [tilespmem:v13+s20+$0x0], $0xffff  }
0x74: {  	v36 =	vor.u32 $0x80, v21;
	v33 =	vor.u32 $0x80, v19;
	v35 =	vor.u32 $0x80, v23;
	v37 =	vld.idx.msk [tilespmem:v1+s23+$0x0], $0xffff  }
0x75: {  	v38 =	vor.u32 $0x80, v27;
	v1 =	vmul.f32 v7, v0;
	v7 =	vmul.f32 v28, v25;
	v25 =	vld.idx.msk [tilespmem:v3+s23+$0x0], $0xffff;
	s23 =	smov.u32 s20  }
0x76: {  	v40 =	vor.u32 $0x100, v19;
	v39 =	vor.u32 $0x100, v5;
	v41 =	vor.u32 $0x80, v34;
	v28 =	vld.idx.msk [tilespmem:v5+s23+$0x0], $0xffff  }
0x77: {  	v13 =	vor.u32 $0x100, v23;
	v1 =	vadd.f32 v7, v1;
	v3 =	vmul.f32 v16, v31;
	v42 =	vld.idx.msk [tilespmem:v19+s23+$0x0], $0xffff  }
0x78: {  	v15 =	vor.u32 $0x100, v21;
	v11 =	vor.u32 $0x100, v27;
	v9 =	vor.u32 $0x100, v34;
	v31 =	vld.idx.msk [tilespmem:v23+s23+$0x0], $0xffff  }
0x79: {  	v7 =	vor.u32 $0x180, v5;
	v16 =	vadd.f32 v3, v1;
	v44 =	vmul.f32 v10, v6;
	v43 =	vld.idx.msk [tilespmem:v21+s23+$0x0], $0xffff  }
0x7a: {  	v5 =	vor.u32 $0x180, v21;
	v10 =	vor.u32 $0x180, v19;
	v6 =	vor.u32 $0x180, v23;
	v19 =	vld.idx.msk [tilespmem:v27+s23+$0x0], $0xffff  }
0x7b: {  	v1 =	vor.u32 $0x180, v27;
	v3 =	vor.u32 $0x180, v34;
	v16 =	vadd.f32 v44, v16;
	v21 =	vld.idx.msk [tilespmem:v34+s23+$0x0], $0xffff  }
0x7c: {  	s22 =	sadd.s32 $0x40, s22;
	v2 =	vmul.f32 v4, v2;
	v4 =	vmul.f32 v22, v17;
	v23 =	vld.idx.msk [tilespmem:v30+s23+$0x0], $0xffff  }
0x7d: {  	v18 =	vmul.f32 v18, v20;
	v17 =	vmul.f32 v42, v28;
	v22 =	vld.idx.msk [tilespmem:v33+s23+$0x0], $0xffff;
	[tilespmem:s22+$0x10] =	vst v16  }
0x7e: {  	v2 =	vadd.f32 v2, v8;
	v4 =	vadd.f32 v4, v12;
	v20 =	vmul.f32 v26, v24;
	v16 =	vld.idx.msk [tilespmem:v35+s23+$0x0], $0xffff  }
.Ltmp0:
0x7f: {  	v24 =	vadd.f32 v18, v14;
	v8 =	vmul.f32 v17, v0;
	v17 =	vmul.f32 v43, v31;
	v12 =	vld.idx.msk [tilespmem:v36+s23+$0x0], $0xffff;
	(pc) =	sbr.rel @p0 .LBB2_3-.Ltmp0, $4  }
0x80: {  	v20 =	vadd.f32 v20, v2;
	v26 =	vmul.f32 v32, v29;
	v25 =	vmul.f32 v25, v37;
	v14 =	vld.idx.msk [tilespmem:v38+s23+$0x0], $0xffff  }
0x81: {  	v17 =	vmul.f32 v17, v0;
	v27 =	vmul.f32 v21, v19;
	v18 =	vld.idx.msk [tilespmem:v41+s23+$0x0], $0xffff  }
0x82: {  	v21 =	vadd.f32 v26, v4;
	v19 =	vadd.f32 v25, v24;
	v2 =	vld.idx.msk [tilespmem:v39+s23+$0x0], $0xffff;
	[tilespmem:s21+$0xFFFFFFE0] =	vst v20  }
0x83: {  	s25 =	sadd.s32 $0x40, s25;
	v22 =	vmul.f32 v22, v23;
	v20 =	vmul.f32 v27, v0;
	v4 =	vld.idx.msk [tilespmem:v40+s23+$0x0], $0xffff  }
0x84: {  	_ =	sdelay $0x3  }
0x85: {  	v13 =	vld.idx.msk [tilespmem:v13+s23+$0x0], $0xffff  }
0x86: {  	v15 =	vld.idx.msk [tilespmem:v15+s23+$0x0], $0xffff  }
0x87: {  	v11 =	vld.idx.msk [tilespmem:v11+s23+$0x0], $0xffff  }
0x88: {  	v9 =	vld.idx.msk [tilespmem:v9+s23+$0x0], $0xffff  }
0x89: {  	v7 =	vld.idx.msk [tilespmem:v7+s23+$0x0], $0xffff  }
0x8a: {  	v10 =	vld.idx.msk [tilespmem:v10+s23+$0x0], $0xffff  }
0x8b: {  	v6 =	vld.idx.msk [tilespmem:v6+s23+$0x0], $0xffff  }
0x8c: {  	v5 =	vld.idx.msk [tilespmem:v5+s23+$0x0], $0xffff  }
0x8d: {  	v1 =	vld.idx.msk [tilespmem:v1+s23+$0x0], $0xffff  }
0x8e: {  	v12 =	vmul.f32 v12, v16;
	v3 =	vld.idx.msk [tilespmem:v3+s23+$0x0], $0xffff;
	v14 =	vmul.f32 v18, v14  }
0x8f: {  	v8 =	vadd.f32 v22, v8;
	v2 =	vmul.f32 v4, v2  }
0x90: {  	v61 =	vadd.f32 v12, v17;
	v62 =	vadd.f32 v14, v20;
	v13 =	vmul.f32 v15, v13  }
0x91: {  	v9 =	vmul.f32 v9, v11;
	v7 =	vmul.f32 v10, v7;
	v2 =	vadd.f32 v2, v8  }
0x92: {  	v5 =	vmul.f32 v5, v6;
	v4 =	vadd.f32 v13, v61  }
0x93: {  	[tilespmem:s21+$0xFFFFFFF0] =	vst v21;
	v1 =	vmul.f32 v3, v1;
	v63 =	vadd.f32 v9, v62;
	v2 =	vadd.f32 v7, v2  }
0x94: {  	[tilespmem:s21+$0x0] =	vst v19;
	v3 =	vadd.f32 v5, v4  }
0x95: {  	v1 =	vadd.f32 v1, v63;
	[tilespmem:s22+$0xFFFFFFE0] =	vst v2  }
0x96: {  	[tilespmem:s22+$0xFFFFFFF0] =	vst v3  }
0x97: {  	[tilespmem:s22+$0x0] =	vst v1  }
.LBB2_5:
0x98: {  	s21 =	sshra.s32 s20, $0x2  }
0x99: {  	v1 =	vld [tilespmem:s21+$0xEC00];
	_ =	sdelay $0x4  }
0x9a: {  	v2 =	vshrl.u32 v1, $0xE;
	v3 =	vshrl.u32 v1, $0xC  }
0x9b: {  	v4 =	vshll.u32 v1, $0x2;
	v2 =	vand.u32 $0x7F, v2;
	v3 =	vand.u32 $0xFFE00, v3  }
0x9c: {  	v1 =	vand.u32 $0x7F, v1;
	v2 =	vor.u32 v2, v3;
	v3 =	vand.u32 $0xFE00, v4  }
0x9d: {  	v1 =	vor.u32 v1, v3  }
0x9e: {  	v3 =	vor.u32 $0x80, v2  }
0x9f: {  	v61 =	vor.u32 $0x80, v1  }
0xa0: {  	v5 =	vor.u32 $0x100, v2  }
0xa1: {  	v7 =	vor.u32 $0x100, v1;
	v6 =	vld.idx.msk [tilespmem:v2+s2+$0x0], $0xffff  }
0xa2: {  	v2 =	vor.u32 $0x180, v2;
	v8 =	vld.idx.msk [tilespmem:v1+s2+$0x0], $0xffff  }
0xa3: {  	v3 =	vld.idx.msk [tilespmem:v3+s2+$0x0], $0xffff;
	v1 =	vor.u32 $0x180, v1  }
0xa4: {  	v4 =	vld.idx.msk [tilespmem:v61+s2+$0x0], $0xffff  }
0xa5: {  	v5 =	vld.idx.msk [tilespmem:v5+s2+$0x0], $0xffff  }
0xa6: {  	v7 =	vld.idx.msk [tilespmem:v7+s2+$0x0], $0xffff  }
0xa7: {  	v2 =	vld.idx.msk [tilespmem:v2+s2+$0x0], $0xffff;
	v6 =	vmul.f32 v8, v6  }
0xa8: {  	v1 =	vld.idx.msk [tilespmem:v1+s2+$0x0], $0xffff  }
0xa9: {  	v3 =	vmul.f32 v4, v3;
	v62 =	vmul.f32 v6, v0;
	_ =	sdelay $0x1  }
0xaa: {  	v63 =	vmul.f32 v7, v5;
	v3 =	vadd.f32 v3, v62  }
0xab: {  	p0 =	sne.s32 s20, $0x40  }
.Ltmp1:
0xac: {  	v1 =	vmul.f32 v1, v2;
	v3 =	vadd.f32 v63, v3;
	(pc) =	sbr.rel @p0 .LBB2_5-.Ltmp1, $3  }
0xad: {  	_ = 	snop  }
0xae: {  	v1 =	vadd.f32 v1, v3;
	_ =	sdelay $0x1  }
0xaf: {  	s20 =	sadd.s32 $0x40, s20;
	[tilespmem:s21+$0x18900] =	vst v1  }
0xb0: {  	s20 =	sadd.s32 s6, s19  }
0xb1: {  	s20 =	sshrl.u32 s20, $0x3  }
0xb2: {  	p0 =	seq.s32 s18, $0x7;
	s20 =	sadd.s32 s4, s20  }
0xb3: {  	[hbm4b:s20+s2] =	stream.linear.scatter [tilespmem:s14], [sflag:$0x3], $0x4E20, $0x38;
	[tilespmem:$0x18980] =	vst v63  }
0xb4: {  	s19 =	sshrl.u32 @!p0 s19, $0x3;
	_ =	swait.ge [sflag:s10], $0x4E20  }
0xb5: {  	s21 =	simm.s32 @!p0 $0x9E00;
	s19 =	sadd.s32 @!p0 s3, s19;
	[sflag:s10] =	ssyncset.done $0x0  }
0xb6: {  	s19 =	sadd.s32 @!p0 $0x1388, s19;
	s20 =	simm.s32 @!p0 $0x0;
	[sflag:s10] =	ssyncadd.s32 $0xFFFFB1E0  }
0xb7: {  	[tilespmem:s21], [sflag:$0x1] =	stream.linear.gather @!p0 [hbm4b:s19+s20], $0x4E20, $0x38;
	[tilespmem:$0x18980] =	vst v63  }
0xb8: {  	_ =	swait.ge [sflag:s15], $0x4E20  }
0xb9: {  	[sflag:s15] =	ssyncset.done $0x0  }
0xba: {  	s30 =	simm.s32 $0xECA0;
	[sflag:s15] =	ssyncadd.s32 $0xFFFFB1E0  }
0xbb: {  	v1 =	vld [tilespmem:s30+$0x10];
	_ =	sdelay $0x1  }
0xbc: {  	v2 =	vld [tilespmem:s30+$0xFFFFFFE0]  }
0xbd: {  	v5 =	vld [tilespmem:s30+$0xFFFFFFF0];
	_ =	sdelay $0x1  }
0xbe: {  	v7 =	vld [tilespmem:s30+$0x0];
	v3 =	vshrl.u32 v1, $0xE;
	v4 =	vshrl.u32 v1, $0xC;
	v6 =	vshll.u32 v1, $0x2  }
0xbf: {  	v1 =	vand.u32 $0x7F, v1;
	v3 =	vand.u32 $0x7F, v3;
	v4 =	vand.u32 $0xFFE00, v4  }
0xc0: {  	v8 =	vshrl.u32 v2, $0xC;
	v3 =	vor.u32 v3, v4;
	v4 =	vand.u32 $0xFE00, v6  }
0xc1: {  	v9 =	vshll.u32 v2, $0x2;
	v11 =	vshrl.u32 v5, $0xE;
	v1 =	vor.u32 v1, v4  }
0xc2: {  	v12 =	vshrl.u32 v5, $0xC;
	v14 =	vshll.u32 v5, $0x2;
	v6 =	vor.u32 $0x80, v3  }
0xc3: {  	v15 =	vshrl.u32 v7, $0xE;
	v18 =	vshrl.u32 v7, $0xC;
	v13 =	vor.u32 $0x100, v3  }
0xc4: {  	s19 =	simm.s32 $0x0;
	v20 =	vshll.u32 v7, $0x2;
	v9 =	vand.u32 $0xFE00, v9;
	v10 =	vor.u32 $0x80, v1  }
0xc5: {  	v4 =	vshrl.u32 v2, $0xE;
	v2 =	vand.u32 $0x7F, v2;
	v17 =	vor.u32 $0x100, v1;
	v16 =	vld.idx.msk [tilespmem:v3+s19+$0x0], $0xffff  }
0xc6: {  	v8 =	vand.u32 $0xFFE00, v8;
	v4 =	vand.u32 $0x7F, v4;
	v2 =	vor.u32 v2, v9;
	v19 =	vld.idx.msk [tilespmem:v1+s19+$0x0], $0xffff  }
0xc7: {  	v5 =	vand.u32 $0x7F, v5;
	v9 =	vand.u32 $0xFE00, v14;
	v4 =	vor.u32 v4, v8;
	v6 =	vld.idx.msk [tilespmem:v6+s19+$0x0], $0xffff  }
0xc8: {  	v8 =	vand.u32 $0x7F, v11;
	v11 =	vand.u32 $0xFFE00, v12;
	v5 =	vor.u32 v5, v9;
	v12 =	vld.idx.msk [tilespmem:v13+s19+$0x0], $0xffff  }
0xc9: {  	v7 =	vand.u32 $0x7F, v7;
	v9 =	vand.u32 $0xFE00, v20;
	v8 =	vor.u32 v8, v11;
	v10 =	vld.idx.msk [tilespmem:v10+s19+$0x0], $0xffff  }
0xca: {  	v7 =	vor.u32 v7, v9;
	v13 =	vld.idx.msk [tilespmem:v17+s19+$0x0], $0xffff  }
0xcb: {  	v11 =	vand.u32 $0x7F, v15;
	v22 =	vor.u32 $0x80, v5;
	v15 =	vld.idx.msk [tilespmem:v2+s19+$0x0], $0xffff  }
0xcc: {  	v14 =	vand.u32 $0xFFE00, v18;
	v3 =	vor.u32 $0x180, v3;
	v9 =	vld.idx.msk [tilespmem:v4+s19+$0x0], $0xffff  }
0xcd: {  	v11 =	vor.u32 v11, v14;
	v21 =	vld.idx.msk [tilespmem:v5+s19+$0x0], $0xffff  }
0xce: {  	v14 =	vor.u32 $0x80, v4;
	v18 =	vld.idx.msk [tilespmem:v8+s19+$0x0], $0xffff  }
0xcf: {  	v20 =	vor.u32 $0x80, v8;
	v25 =	vld.idx.msk [tilespmem:v7+s19+$0x0], $0xffff  }
0xd0: {  	v26 =	vor.u32 $0x80, v7;
	v22 =	vld.idx.msk [tilespmem:v22+s19+$0x0], $0xffff  }
0xd1: {  	v1 =	vor.u32 $0x180, v1;
	v3 =	vld.idx.msk [tilespmem:v3+s19+$0x0], $0xffff  }
0xd2: {  	v62 =	vor.u32 $0x100, v11;
	v23 =	vld.idx.msk [tilespmem:v11+s19+$0x0], $0xffff  }
0xd3: {  	v17 =	vor.u32 $0x80, v2;
	v14 =	vld.idx.msk [tilespmem:v14+s19+$0x0], $0xffff  }
0xd4: {  	v24 =	vor.u32 $0x80, v11;
	v20 =	vld.idx.msk [tilespmem:v20+s19+$0x0], $0xffff  }
0xd5: {  	v60 =	vld.idx.msk [tilespmem:v26+s19+$0x0], $0xffff  }
0xd6: {  	v27 =	vor.u32 $0x100, v4;
	v4 =	vor.u32 $0x180, v4;
	v1 =	vld.idx.msk [tilespmem:v1+s19+$0x0], $0xffff  }
0xd7: {  	v61 =	vor.u32 $0x100, v8;
	v8 =	vor.u32 $0x180, v8;
	v48 =	vld.idx.msk [tilespmem:v62+s19+$0x0], $0xffff  }
0xd8: {  	v28 =	vor.u32 $0x100, v7;
	v7 =	vor.u32 $0x180, v7;
	v16 =	vmul.f32 v19, v16;
	v17 =	vld.idx.msk [tilespmem:v17+s19+$0x0], $0xffff  }
0xd9: {  	s31 =	simm.s32 $0xECE0;
	v6 =	vmul.f32 v10, v6;
	v10 =	vld.idx.msk [tilespmem:v24+s19+$0x0], $0xffff;
	v12 =	vmul.f32 v13, v12;
	v13 =	vor.u32 $0x100, v5  }
0xda: {  	v5 =	vor.u32 $0x180, v5;
	v16 =	vmul.f32 v16, v0;
	v9 =	vmul.f32 v15, v9;
	v15 =	vld [tilespmem:s31+$0xFFFFFFF0]  }
0xdb: {  	v4 =	vld.idx.msk [tilespmem:v4+s19+$0x0], $0xffff  }
0xdc: {  	v11 =	vor.u32 $0x180, v11;
	v19 =	vor.u32 $0x100, v2;
	v49 =	vld.idx.msk [tilespmem:v8+s19+$0x0], $0xffff;
	v6 =	vadd.f32 v6, v16  }
0xdd: {  	v2 =	vor.u32 $0x180, v2;
	v9 =	vmul.f32 v9, v0;
	v1 =	vmul.f32 v1, v3;
	v3 =	vld [tilespmem:s31+$0x10]  }
0xde: {  	v57 =	vld.idx.msk [tilespmem:v7+s19+$0x0], $0xffff;
	v20 =	vmul.f32 v22, v20;
	v6 =	vadd.f32 v12, v6;
	v12 =	vmul.f32 v21, v18  }
0xdf: {  	v14 =	vmul.f32 v17, v14;
	v10 =	vmul.f32 v60, v10;
	v51 =	vld.idx.msk [tilespmem:v5+s19+$0x0], $0xffff;
	v5 =	vshrl.u32 v15, $0xE  }
0xe0: {  	v16 =	vld.idx.msk [tilespmem:v27+s19+$0x0], $0xffff;
	v29 =	vshrl.u32 v15, $0xC;
	v32 =	vshll.u32 v15, $0x2;
	v15 =	vand.u32 $0x7F, v15  }
0xe1: {  	v55 =	vld.idx.msk [tilespmem:v11+s19+$0x0], $0xffff;
	v12 =	vmul.f32 v12, v0;
	v1 =	vadd.f32 v1, v6;
	v6 =	vmul.f32 v25, v23  }
0xe2: {  	v19 =	vld.idx.msk [tilespmem:v19+s19+$0x0], $0xffff;
	v5 =	vand.u32 $0x7F, v5;
	v22 =	vshrl.u32 v3, $0xE;
	v23 =	vshrl.u32 v3, $0xC  }
0xe3: {  	v63 =	vld.idx.msk [tilespmem:v13+s19+$0x0], $0xffff;
	v13 =	vand.u32 $0x7F, v22;
	v22 =	vand.u32 $0xFFE00, v23;
	v23 =	vshll.u32 v3, $0x2  }
0xe4: {  	v2 =	vld.idx.msk [tilespmem:v2+s19+$0x0], $0xffff;
	v3 =	vand.u32 $0x7F, v3;
	v13 =	vor.u32 v13, v22;
	v22 =	vand.u32 $0xFE00, v23  }
0xe5: {  	v21 =	vld [tilespmem:s31+$0xFFFFFFE0];
	v29 =	vand.u32 $0xFFE00, v29;
	v6 =	vmul.f32 v6, v0;
	v3 =	vor.u32 v3, v22  }
0xe6: {  	v18 =	vld [tilespmem:s31+$0x0];
	v32 =	vand.u32 $0xFE00, v32;
	v22 =	vadd.f32 v14, v9;
	v9 =	vor.u32 $0x80, v13  }
0xe7: {  	v17 =	vld.idx.msk [tilespmem:v61+s19+$0x0], $0xffff;
	v12 =	vadd.f32 v20, v12;
	v20 =	vadd.f32 v10, v6;
	v10 =	vor.u32 $0x80, v3  }
0xe8: {  	v5 =	vor.u32 v5, v29;
	v15 =	vor.u32 v15, v32;
	v23 =	vld.idx.msk [tilespmem:v28+s19+$0x0], $0xffff;
	v50 =	vor.u32 $0x100, v13  }
0xe9: {  	v59 =	vor.u32 $0x80, v5;
	v61 =	vor.u32 $0x80, v15;
	v31 =	vor.u32 $0x100, v3;
	v30 =	vld.idx.msk [tilespmem:v13+s19+$0x0], $0xffff  }
0xea: {  	v2 =	vmul.f32 v2, v4;
	v8 =	vshrl.u32 v21, $0xC;
	v13 =	vor.u32 $0x180, v13;
	v34 =	vld.idx.msk [tilespmem:v3+s19+$0x0], $0xffff  }
0xeb: {  	v33 =	vshrl.u32 v18, $0xE;
	v6 =	vshrl.u32 v21, $0xE;
	v9 =	vld.idx.msk [tilespmem:v9+s19+$0x0], $0xffff;
	v3 =	vor.u32 $0x180, v3  }
0xec: {  	v8 =	vand.u32 $0xFFE00, v8;
	v14 =	vshll.u32 v21, $0x2;
	v6 =	vand.u32 $0x7F, v6;
	v10 =	vld.idx.msk [tilespmem:v10+s19+$0x0], $0xffff  }
0xed: {  	v21 =	vand.u32 $0x7F, v21;
	v14 =	vand.u32 $0xFE00, v14;
	v6 =	vor.u32 v6, v8;
	v27 =	vld.idx.msk [tilespmem:v50+s19+$0x0], $0xffff  }
0xee: {  	v35 =	vshrl.u32 v18, $0xC;
	v36 =	vshll.u32 v18, $0x2;
	v21 =	vor.u32 v21, v14;
	v8 =	vld.idx.msk [tilespmem:v31+s19+$0x0], $0xffff  }
0xef: {  	v33 =	vand.u32 $0x7F, v33;
	v52 =	vand.u32 $0xFFE00, v35;
	v13 =	vld.idx.msk [tilespmem:v13+s19+$0x0], $0xffff;
	v53 =	vmul.f32 v34, v30  }
0xf0: {  	v18 =	vand.u32 $0x7F, v18;
	v54 =	vor.u32 v33, v52;
	v14 =	vand.u32 $0xFE00, v36;
	v3 =	vld.idx.msk [tilespmem:v3+s19+$0x0], $0xffff  }
0xf1: {  	s20 =	simm.s32 $0x13B20;
	v40 =	vld.idx.msk [tilespmem:v5+s19+$0x0], $0xffff;
	v56 =	vor.u32 $0x80, v6;
	v9 =	vmul.f32 v10, v9;
	v11 =	vmul.f32 v53, v0  }
0xf2: {  	[tilespmem:s20+$0x10] =	vst v1;
	v62 =	vor.u32 $0x80, v54;
	v1 =	vor.u32 $0x180, v54;
	v58 =	vor.u32 v18, v14;
	v60 =	vld.idx.msk [tilespmem:v6+s19+$0x0], $0xffff  }
0xf3: {  	v18 =	vor.u32 $0x80, v21;
	v37 =	vld.idx.msk [tilespmem:v21+s19+$0x0], $0xffff;
	v8 =	vmul.f32 v8, v27;
	v7 =	vadd.f32 v9, v11  }
0xf4: {  	v42 =	vld.idx.msk [tilespmem:v15+s19+$0x0], $0xffff;
	v38 =	vor.u32 $0x100, v6;
	v41 =	vor.u32 $0x80, v58;
	v4 =	vmul.f32 v23, v48  }
0xf5: {  	v14 =	vor.u32 $0x100, v15;
	v43 =	vld.idx.msk [tilespmem:v54+s19+$0x0], $0xffff;
	v3 =	vmul.f32 v3, v13;
	v8 =	vadd.f32 v8, v7  }
0xf6: {  	v4 =	vadd.f32 v4, v20;
	v32 =	vld.idx.msk [tilespmem:v56+s19+$0x0], $0xffff;
	v13 =	vor.u32 $0x100, v5;
	v7 =	vor.u32 $0x180, v6  }
0xf7: {  	v44 =	vld.idx.msk [tilespmem:v58+s19+$0x0], $0xffff;
	v6 =	vor.u32 $0x180, v5;
	v3 =	vadd.f32 v3, v8;
	v8 =	vmul.f32 v19, v16  }
0xf8: {  	s21 =	simm.s32 $0x13B60;
	v5 =	vor.u32 $0x180, v15;
	v15 =	vmul.f32 v63, v17;
	v17 =	vmul.f32 v37, v60;
	v63 =	vld.idx.msk [tilespmem:v18+s19+$0x0], $0xffff  }
0xf9: {  	v39 =	vor.u32 $0x100, v21;
	v20 =	vmul.f32 v57, v55;
	v18 =	vld.idx.msk [tilespmem:v41+s19+$0x0], $0xffff;
	[tilespmem:s21+$0x10] =	vst v3;
	v3 =	vadd.f32 v8, v22  }
0xfa: {  	v10 =	vor.u32 $0x180, v21;
	v16 =	vld.idx.msk [tilespmem:v59+s19+$0x0], $0xffff;
	v19 =	vadd.f32 v15, v12;
	v8 =	vmul.f32 v17, v0  }
0xfb: {  	v12 =	vld.idx.msk [tilespmem:v61+s19+$0x0], $0xffff;
	v17 =	vmul.f32 v42, v40;
	v22 =	vmul.f32 v51, v49;
	v21 =	vadd.f32 v2, v3  }
0xfc: {  	v23 =	vmul.f32 v44, v43;
	v11 =	vor.u32 $0x100, v54;
	v9 =	vor.u32 $0x100, v58;
	v15 =	vld.idx.msk [tilespmem:v62+s19+$0x0], $0xffff  }
0xfd: {  	s18 =	sadd.s32 $0x1, s18;
	v3 =	vor.u32 $0x180, v58;
	v17 =	vmul.f32 v17, v0;
	v2 =	vld.idx.msk [tilespmem:v38+s19+$0x0], $0xffff;
	[tilespmem:s20+$0xFFFFFFE0] =	vst v21;
	v21 =	vadd.f32 v22, v19  }
0xfe: {  	s23 =	simm.s32 $0x4;
	s24 =	simm.s32 $0xED20;
	s22 =	simm.s32 $0x0;
	v19 =	vadd.f32 v20, v4;
	v22 =	vmul.f32 v63, v32;
	v4 =	vld.idx.msk [tilespmem:v39+s19+$0x0], $0xffff;
	v20 =	vmul.f32 v23, v0  }
.LBB2_7:
0xff: {  	v23 =	vld [tilespmem:s24+$0x10];
	[tilespmem:s20+$0xFFFFFFF0] =	vst v21  }
0x100: {  	s23 =	sadd.s32 $0x4, s23;
	v12 =	vmul.f32 v12, v16;
	v21 =	vld [tilespmem:s24+$0xFFFFFFF0];
	v8 =	vadd.f32 v22, v8;
	[tilespmem:s20+$0x0] =	vst v19;
	s20 =	smov.u32 s21  }
0x101: {  	p0 =	slt.u32 s23, $0x4DC;
	v16 =	vld [tilespmem:s24+$0x0]  }
0x102: {  	v12 =	vadd.f32 v12, v17;
	v15 =	vmul.f32 v18, v15;
	v19 =	vld [tilespmem:s24+$0xFFFFFFE0]  }
0x103: {  	v17 =	vld.idx.msk [tilespmem:v13+s22+$0x0], $0xffff  }
0x104: {  	v15 =	vadd.f32 v15, v20;
	v13 =	vshrl.u32 v23, $0xE;
	v18 =	vshrl.u32 v23, $0xC;
	v22 =	vld.idx.msk [tilespmem:v14+s22+$0x0], $0xffff  }
0x105: {  	v13 =	vand.u32 $0x7F, v13;
	v14 =	vand.u32 $0xFFE00, v18;
	v18 =	vshll.u32 v23, $0x2;
	v20 =	vld.idx.msk [tilespmem:v11+s22+$0x0], $0xffff  }
0x106: {  	v11 =	vor.u32 v13, v14;
	v13 =	vand.u32 $0x7F, v23;
	v14 =	vand.u32 $0xFE00, v18;
	v18 =	vld.idx.msk [tilespmem:v9+s22+$0x0], $0xffff  }
0x107: {  	v9 =	vshrl.u32 v19, $0xE;
	v23 =	vshrl.u32 v19, $0xC;
	v13 =	vor.u32 v13, v14;
	v24 =	vld.idx.msk [tilespmem:v7+s22+$0x0], $0xffff  }
0x108: {  	v7 =	vshll.u32 v19, $0x2;
	v14 =	vshrl.u32 v21, $0xE;
	v25 =	vor.u32 $0x80, v11;
	v26 =	vld.idx.msk [tilespmem:v10+s22+$0x0], $0xffff  }
0x109: {  	v27 =	vshll.u32 v21, $0x2;
	v10 =	vshrl.u32 v21, $0xC;
	v28 =	vor.u32 $0x80, v13;
	v29 =	vld.idx.msk [tilespmem:v6+s22+$0x0], $0xffff  }
0x10a: {  	v30 =	vshrl.u32 v16, $0xC;
	v31 =	vor.u32 $0x100, v11;
	v6 =	vshrl.u32 v16, $0xE;
	v32 =	vld.idx.msk [tilespmem:v5+s22+$0x0], $0xffff  }
0x10b: {  	v34 =	vor.u32 $0x100, v13;
	v5 =	vand.u32 $0x7F, v9;
	v9 =	vshll.u32 v16, $0x2;
	v33 =	vld.idx.msk [tilespmem:v11+s19+$0x0], $0xffff  }
0x10c: {  	v23 =	vand.u32 $0xFFE00, v23;
	v7 =	vand.u32 $0xFE00, v7;
	v11 =	vor.u32 $0x180, v11;
	v35 =	vld.idx.msk [tilespmem:v13+s19+$0x0], $0xffff  }
0x10d: {  	v14 =	vand.u32 $0x7F, v14;
	v10 =	vand.u32 $0xFFE00, v10;
	v13 =	vor.u32 $0x180, v13;
	v25 =	vld.idx.msk [tilespmem:v25+s19+$0x0], $0xffff  }
0x10e: {  	v27 =	vand.u32 $0xFE00, v27;
	v30 =	vand.u32 $0xFFE00, v30;
	v6 =	vand.u32 $0x7F, v6;
	v28 =	vld.idx.msk [tilespmem:v28+s19+$0x0], $0xffff  }
0x10f: {  	v19 =	vand.u32 $0x7F, v19;
	v21 =	vand.u32 $0x7F, v21;
	v9 =	vand.u32 $0xFE00, v9;
	v31 =	vld.idx.msk [tilespmem:v31+s19+$0x0], $0xffff  }
0x110: {  	v19 =	vor.u32 v19, v7;
	v7 =	vand.u32 $0x7F, v16;
	v5 =	vor.u32 v5, v23;
	v16 =	vld.idx.msk [tilespmem:v34+s19+$0x0], $0xffff  }
0x111: {  	v21 =	vor.u32 v21, v27;
	v23 =	vor.u32 v14, v10;
	v27 =	vor.u32 v6, v30;
	v6 =	vld.idx.msk [tilespmem:v11+s19+$0x0], $0xffff  }
0x112: {  	v30 =	vor.u32 $0x80, v5;
	v34 =	vor.u32 v7, v9;
	v7 =	vmul.f32 v35, v33;
	v10 =	vld.idx.msk [tilespmem:v13+s19+$0x0], $0xffff  }
0x113: {  	v36 =	vor.u32 $0x80, v21;
	v33 =	vor.u32 $0x80, v19;
	v35 =	vor.u32 $0x80, v23;
	v37 =	vld.idx.msk [tilespmem:v1+s22+$0x0], $0xffff  }
0x114: {  	v38 =	vor.u32 $0x80, v27;
	v1 =	vmul.f32 v7, v0;
	v7 =	vmul.f32 v28, v25;
	v25 =	vld.idx.msk [tilespmem:v3+s22+$0x0], $0xffff;
	s22 =	smov.u32 s19  }
0x115: {  	v40 =	vor.u32 $0x100, v19;
	v39 =	vor.u32 $0x100, v5;
	v41 =	vor.u32 $0x80, v34;
	v28 =	vld.idx.msk [tilespmem:v5+s22+$0x0], $0xffff  }
0x116: {  	v13 =	vor.u32 $0x100, v23;
	v1 =	vadd.f32 v7, v1;
	v3 =	vmul.f32 v16, v31;
	v42 =	vld.idx.msk [tilespmem:v19+s22+$0x0], $0xffff  }
0x117: {  	v14 =	vor.u32 $0x100, v21;
	v11 =	vor.u32 $0x100, v27;
	v9 =	vor.u32 $0x100, v34;
	v31 =	vld.idx.msk [tilespmem:v23+s22+$0x0], $0xffff  }
0x118: {  	v7 =	vor.u32 $0x180, v5;
	v16 =	vadd.f32 v3, v1;
	v44 =	vmul.f32 v10, v6;
	v43 =	vld.idx.msk [tilespmem:v21+s22+$0x0], $0xffff  }
0x119: {  	v5 =	vor.u32 $0x180, v21;
	v10 =	vor.u32 $0x180, v19;
	v6 =	vor.u32 $0x180, v23;
	v19 =	vld.idx.msk [tilespmem:v27+s22+$0x0], $0xffff  }
0x11a: {  	v1 =	vor.u32 $0x180, v27;
	v3 =	vor.u32 $0x180, v34;
	v16 =	vadd.f32 v44, v16;
	v21 =	vld.idx.msk [tilespmem:v34+s22+$0x0], $0xffff  }
0x11b: {  	s21 =	sadd.s32 $0x40, s21;
	v2 =	vmul.f32 v4, v2;
	v4 =	vmul.f32 v22, v17;
	v23 =	vld.idx.msk [tilespmem:v30+s22+$0x0], $0xffff  }
0x11c: {  	v18 =	vmul.f32 v18, v20;
	v17 =	vmul.f32 v42, v28;
	v22 =	vld.idx.msk [tilespmem:v33+s22+$0x0], $0xffff;
	[tilespmem:s21+$0x10] =	vst v16  }
0x11d: {  	v2 =	vadd.f32 v2, v8;
	v4 =	vadd.f32 v4, v12;
	v20 =	vmul.f32 v26, v24;
	v16 =	vld.idx.msk [tilespmem:v35+s22+$0x0], $0xffff  }
.Ltmp2:
0x11e: {  	v24 =	vadd.f32 v18, v15;
	v8 =	vmul.f32 v17, v0;
	v17 =	vmul.f32 v43, v31;
	v12 =	vld.idx.msk [tilespmem:v36+s22+$0x0], $0xffff;
	(pc) =	sbr.rel @p0 .LBB2_7-.Ltmp2, $4  }
0x11f: {  	v20 =	vadd.f32 v20, v2;
	v26 =	vmul.f32 v32, v29;
	v25 =	vmul.f32 v25, v37;
	v15 =	vld.idx.msk [tilespmem:v38+s22+$0x0], $0xffff  }
0x120: {  	v17 =	vmul.f32 v17, v0;
	v27 =	vmul.f32 v21, v19;
	v18 =	vld.idx.msk [tilespmem:v41+s22+$0x0], $0xffff  }
0x121: {  	v21 =	vadd.f32 v26, v4;
	v19 =	vadd.f32 v25, v24;
	v2 =	vld.idx.msk [tilespmem:v39+s22+$0x0], $0xffff;
	[tilespmem:s20+$0xFFFFFFE0] =	vst v20  }
0x122: {  	s24 =	sadd.s32 $0x40, s24;
	v22 =	vmul.f32 v22, v23;
	v20 =	vmul.f32 v27, v0;
	v4 =	vld.idx.msk [tilespmem:v40+s22+$0x0], $0xffff  }
0x123: {  	_ =	sdelay $0x3  }
0x124: {  	v13 =	vld.idx.msk [tilespmem:v13+s22+$0x0], $0xffff  }
0x125: {  	v14 =	vld.idx.msk [tilespmem:v14+s22+$0x0], $0xffff  }
0x126: {  	v11 =	vld.idx.msk [tilespmem:v11+s22+$0x0], $0xffff  }
0x127: {  	v9 =	vld.idx.msk [tilespmem:v9+s22+$0x0], $0xffff  }
0x128: {  	v7 =	vld.idx.msk [tilespmem:v7+s22+$0x0], $0xffff  }
0x129: {  	v10 =	vld.idx.msk [tilespmem:v10+s22+$0x0], $0xffff  }
0x12a: {  	v6 =	vld.idx.msk [tilespmem:v6+s22+$0x0], $0xffff  }
0x12b: {  	v5 =	vld.idx.msk [tilespmem:v5+s22+$0x0], $0xffff  }
0x12c: {  	v1 =	vld.idx.msk [tilespmem:v1+s22+$0x0], $0xffff  }
0x12d: {  	v12 =	vmul.f32 v12, v16;
	v3 =	vld.idx.msk [tilespmem:v3+s22+$0x0], $0xffff;
	v15 =	vmul.f32 v18, v15  }
0x12e: {  	v8 =	vadd.f32 v22, v8;
	v2 =	vmul.f32 v4, v2  }
0x12f: {  	v61 =	vadd.f32 v12, v17;
	v62 =	vadd.f32 v15, v20;
	v13 =	vmul.f32 v14, v13  }
0x130: {  	v9 =	vmul.f32 v9, v11;
	v7 =	vmul.f32 v10, v7;
	v2 =	vadd.f32 v2, v8  }
0x131: {  	v5 =	vmul.f32 v5, v6;
	v4 =	vadd.f32 v13, v61  }
0x132: {  	[tilespmem:s20+$0xFFFFFFF0] =	vst v21;
	v1 =	vmul.f32 v3, v1;
	v63 =	vadd.f32 v9, v62;
	v2 =	vadd.f32 v7, v2  }
0x133: {  	[tilespmem:s20+$0x0] =	vst v19;
	v3 =	vadd.f32 v5, v4  }
0x134: {  	v1 =	vadd.f32 v1, v63;
	[tilespmem:s21+$0xFFFFFFE0] =	vst v2  }
0x135: {  	[tilespmem:s21+$0xFFFFFFF0] =	vst v3  }
0x136: {  	[tilespmem:s21+$0x0] =	vst v1  }
.LBB2_9:
0x137: {  	s20 =	sshra.s32 s19, $0x2  }
0x138: {  	v1 =	vld [tilespmem:s20+$0x13A80];
	_ =	sdelay $0x4  }
0x139: {  	v2 =	vshrl.u32 v1, $0xE;
	v3 =	vshrl.u32 v1, $0xC  }
0x13a: {  	v4 =	vshll.u32 v1, $0x2;
	v2 =	vand.u32 $0x7F, v2;
	v3 =	vand.u32 $0xFFE00, v3  }
0x13b: {  	v1 =	vand.u32 $0x7F, v1;
	v2 =	vor.u32 v2, v3;
	v3 =	vand.u32 $0xFE00, v4  }
0x13c: {  	v1 =	vor.u32 v1, v3  }
0x13d: {  	v3 =	vor.u32 $0x80, v2  }
0x13e: {  	v61 =	vor.u32 $0x80, v1  }
0x13f: {  	v5 =	vor.u32 $0x100, v2  }
0x140: {  	v7 =	vor.u32 $0x100, v1;
	v6 =	vld.idx.msk [tilespmem:v2+s2+$0x0], $0xffff  }
0x141: {  	v2 =	vor.u32 $0x180, v2;
	v8 =	vld.idx.msk [tilespmem:v1+s2+$0x0], $0xffff  }
0x142: {  	v3 =	vld.idx.msk [tilespmem:v3+s2+$0x0], $0xffff;
	v1 =	vor.u32 $0x180, v1  }
0x143: {  	v4 =	vld.idx.msk [tilespmem:v61+s2+$0x0], $0xffff  }
0x144: {  	v5 =	vld.idx.msk [tilespmem:v5+s2+$0x0], $0xffff  }
0x145: {  	v7 =	vld.idx.msk [tilespmem:v7+s2+$0x0], $0xffff  }
0x146: {  	v2 =	vld.idx.msk [tilespmem:v2+s2+$0x0], $0xffff;
	v6 =	vmul.f32 v8, v6  }
0x147: {  	v1 =	vld.idx.msk [tilespmem:v1+s2+$0x0], $0xffff  }
0x148: {  	v3 =	vmul.f32 v4, v3;
	v62 =	vmul.f32 v6, v0;
	_ =	sdelay $0x1  }
0x149: {  	v63 =	vmul.f32 v7, v5;
	v3 =	vadd.f32 v3, v62  }
0x14a: {  	p0 =	sne.s32 s19, $0x40  }
.Ltmp3:
0x14b: {  	v1 =	vmul.f32 v1, v2;
	v3 =	vadd.f32 v63, v3;
	(pc) =	sbr.rel @p0 .LBB2_9-.Ltmp3, $3  }
0x14c: {  	_ = 	snop  }
0x14d: {  	v1 =	vadd.f32 v1, v3;
	_ =	sdelay $0x1  }
0x14e: {  	s19 =	sadd.s32 $0x40, s19;
	[tilespmem:s20+$0x18900] =	vst v1  }
0x14f: {  	s17 =	sadd.s32 s6, s17  }
0x150: {  	p0 =	sne.s32 s18, $0x8;
	s17 =	sshrl.u32 s17, $0x3  }
.Ltmp4:
0x151: {  	s17 =	sadd.s32 s4, s17;
	(pc) =	sbr.rel @p0 .LBB2_2-.Ltmp4, $4  }
0x152: {  	[hbm4b:s17+s2] =	stream.linear.scatter [tilespmem:s14], [sflag:$0x3], $0x4E20, $0x38;
	[tilespmem:$0x18980] =	vst v63  }
0x153: {  	_ =	swait.ge [sflag:s10], $0x4E20  }
0x154: {  	[sflag:s10] =	ssyncset.done $0x0  }
0x155: {  	[sflag:s10] =	ssyncadd.s32 $0xFFFFB1E0  }
0x156: {  	s16 =	sadd.s32 $0x1, s16  }
0x157: {  	p0 =	sne.s32 s16, s7  }
.Ltmp5:
0x158: {  	_ = 	snop;
	(pc) =	sbr.rel @p0 .LBB2_1-.Ltmp5, $1  }
0x159: {  	_ =	sdelay $0x3  }
0x15a: {  	_ =	sfence.sel $0x180000  }
0x15b: {  	[bflag:$0x0] =	sbarrier.arrive $0xFFFF  }
0x15c: {  	p0 =	sne.s32 s1, $0x0;
	_ =	strace $0x90000047  }
0x15d: {  	s0 =	sadd.s32 @!p0 $0x100000, s0;
	[bflag:$0x2] =	sbarrier.arrive $0xFFFF  }
0x15e: {  	[sflag:s0] =	ssyncadd.tile.s32 @!p0 $0x1;
	_ =	shalt  }
.Lfunc_end2:
_tile_overlayer_lowered:
.L_overlay_start_2:
0x15f: {  	(tag) =	ssettag $0x2  }
0x160: {  	s0 =	rddreg [dreg:$0x0];
	s2 =	stileid.u32  }
0x161: {  	s1 =	rddreg [dreg:$0x1];
	p0 =	sne.s32 s2, $0x0  }
0x162: {  	s3 =	rddreg [dreg:$0x2];
	[bflag:$0x3] =	sbarrier.arrive $0xFFFF;
	s2 =	simm.s32 @!p0 $0x1C03  }
0x163: {  	[timem:s3], [sflag:s2] =	dma.local @!p0 [hbm:s0], s1  }
0x164: {  	s0 =	simm.s32 @!p0 $0x3  }
0x165: {  	_ =	swait.ge @!p0 [sflag:s0], s1  }
0x166: {  	s1 =	ssub.s32 @!p0 $0x0, s1;
	[sflag:s0] =	ssyncset.done @!p0 $0x0  }
0x167: {  	[sflag:s0] =	ssyncadd.s32 @!p0 s1  }
0x168: {  	[bflag:$0x3] =	sbarrier.arrive $0xFFFF  }
0x169: {  	_ =	shalt  }

// kernel: kernel.8.cloned.1.call-start
scs
__scs_entry_jumppad:
0x0: {  	(pc) =	sbr.rel $0x88, $3  }
0x1: {  	(tag) =	ssettag $0x0;
	lr =	simm.s32 $0x1  }
0x2: {  	[smem:$0x3F9F] =	sst lr;
	_ =	strace $0xD0000000  }
0x3: {  	_ = 	snop  }
0x4: {  	_ = 	snop  }
0x5: {  	_ = 	snop  }
0x6: {  	_ = 	snop  }
0x7: {  	_ = 	snop  }
__scs_overlays_trampoline_lowered:
0x8: {  	[smem:$0x3FAE] =	sst s0  }
0x9: {  	[smem:$0x3FAF] =	sst s1  }
0xa: {  	[smem:$0x3FB0] =	sst s2  }
0xb: {  	[smem:$0x3FB1] =	sst s3  }
0xc: {  	[smem:$0x3FB2] =	sst s4  }
0xd: {  	[smem:$0x3FB3] =	sst s5  }
0xe: {  	[smem:$0x3FB4] =	sst s6  }
0xf: {  	[smem:$0x3FB5] =	sst s7  }
0x10: {  	[smem:$0x3FB6] =	sst s8  }
0x11: {  	[smem:$0x3FB7] =	sst s9;
	s0 =	simm.s32 @!p0 $0x0  }
0x12: {  	s1 =	sld [smem:$0x3F9D];
	s0 =	simm.s32 @p0 $0x1  }
0x13: {  	[smem:$0x3FB8] =	sst s0;
	s0 =	simm.s32 @!p1 $0x0  }
0x14: {  	s2 =	sld [smem:$0x3F9C];
	s0 =	simm.s32 @p1 $0x1  }
0x15: {  	[smem:$0x3FB9] =	sst s0;
	s0 =	simm.s32 @!p2 $0x0  }
0x16: {  	s3 =	sld [smem:$0x3FDB];
	s0 =	simm.s32 @p2 $0x1  }
0x17: {  	s4 =	simm.s32 $0x1BF5;
	[smem:$0x3FBB] =	sst s0  }
0x18: {  	s0 =	sld [smem:$0x3F9E];
	_ =	swait.ge [sflag:s4], $0x0  }
0x19: {  	s7 =	sld [smem:$0x3F9F]  }
0x1a: {  	s8 =	sadd.s32 $0xFFFFE003, lr  }
0x1b: {  	s9 =	sadd.s32 $0xFFFFFEF7, lr;
	s5 =	simm.s32 $0xFFFFFFFF;
	p2 =	slt.u32 s8, $0xFFFFF086  }
0x1c: {  	p1 =	slt.u32 s9, $0xF7A;
	s5 =	simm.s32 @!p2 $0x0  }
0x1d: {  	s5 =	simm.s32 @p1 $0x1;
	p0 =	seq.s32 s7, s2  }
0x1e: {  	s7 =	smul.u32 @!p0 $0xF7A, s2;
	p2 =	seq.s32 @!p0 s5, $0x0  }
0x1f: {  	s9 =	smul.u32 $0xF7A, s1;
	s8 =	simm.s32 @!p0 $0x1BF5;
	p2 =	por !p2, p0  }
0x20: {  	[sflag:s8] =	ssyncset.s32 @!p0 $0xFFFFF086;
	s6 =	sadd.s32 @!p0 s3, s7;
	s7 =	simm.s32 @!p0 $0x108  }
0x21: {  	s3 =	sadd.s32 s3, s9;
	s6 =	sadd.s32 @!p0 $0x88, s6;
	s7 =	simm.s32 @p2 $0x1082  }
0x22: {  	[simem:s7], [sflag:s8] =	dma.local @!p0 [hbm:s6], $0xF7A  }
0x23: {  	s9 =	sor.u32 $0xD0000000, s2;
	s6 =	simm.s32 $0x108;
	_ =	swait.ge @!p0 [sflag:s8], $0x0  }
0x24: {  	s3 =	sadd.s32 $0x88, s3;
	s6 =	simm.s32 @!p1 $0x1082;
	[sflag:s4] =	ssyncset.s32 $0xFFFFF086  }
0x25: {  	[simem:s6], [sflag:s4] =	dma.local [hbm:s3], $0xF7A  }
0x26: {  	[smem:$0x3F9F] =	sst s1;
	(tag) =	ssettag s2;
	_ =	strace s9  }
0x27: {  	s1 =	sld [smem:$0x3FAF]  }
0x28: {  	s2 =	sld [smem:$0x3FB0]  }
0x29: {  	s4 =	sld [smem:$0x3FB2]  }
0x2a: {  	p0 =	seq.s32 s5, $0x0;
	s5 =	sld [smem:$0x3FB3]  }
0x2b: {  	s6 =	sld [smem:$0x3FB4]  }
0x2c: {  	s7 =	sld [smem:$0x3FB5]  }
0x2d: {  	s3 =	simm.s32 $0x108;
	s8 =	sld [smem:$0x3FB6]  }
0x2e: {  	s3 =	simm.s32 @!p0 $0x1082;
	s9 =	sld [smem:$0x3FB7]  }
0x2f: {  	lr =	sadd.s32 s0, s3;
	s0 =	sld [smem:$0x3FAE]  }
0x30: {  	s3 =	sld [smem:$0x3FB1]  }
0x31: {  	[smem:$0x3FBA] =	sst s10  }
0x32: {  	s10 =	sld [smem:$0x3FB8];
	_ =	sdelay $0x3  }
0x33: {  	p0 =	seq.s32 s10, $0x1;
	s10 =	sld [smem:$0x3FBA];
	_ =	sdelay $0x3  }
0x34: {  	[smem:$0x3FBA] =	sst s10  }
0x35: {  	s10 =	sld [smem:$0x3FB9];
	_ =	sdelay $0x3  }
0x36: {  	p1 =	seq.s32 s10, $0x1;
	s10 =	sld [smem:$0x3FBA];
	_ =	sdelay $0x3  }
0x37: {  	[smem:$0x3FBA] =	sst s10  }
0x38: {  	s10 =	sld [smem:$0x3FBB]  }
0x39: {  	_ = 	snop;
	(pc) =	sbr.ind lr, $3  }
0x3a: {  	_ = 	snop  }
0x3b: {  	_ = 	snop  }
0x3c: {  	p2 =	seq.s32 s10, $0x1;
	s10 =	sld [smem:$0x3FBA]  }
0x3d: {  	_ =	shalt  }
0x3e: {  	_ =	shalt  }
0x3f: {  	_ =	shalt  }
0x40: {  	_ =	shalt  }
0x41: {  	_ =	shalt  }
0x42: {  	_ =	shalt  }
0x43: {  	_ =	shalt  }
0x44: {  	_ =	shalt  }
0x45: {  	_ =	shalt  }
0x46: {  	_ =	shalt  }
0x47: {  	_ =	shalt  }
0x48: {  	_ =	shalt  }
0x49: {  	_ =	shalt  }
0x4a: {  	_ =	shalt  }
0x4b: {  	_ =	shalt  }
0x4c: {  	_ =	shalt  }
0x4d: {  	_ =	shalt  }
0x4e: {  	_ =	shalt  }
0x4f: {  	_ =	shalt  }
0x50: {  	_ =	shalt  }
0x51: {  	_ =	shalt  }
0x52: {  	_ =	shalt  }
0x53: {  	_ =	shalt  }
0x54: {  	_ =	shalt  }
0x55: {  	_ =	shalt  }
0x56: {  	_ =	shalt  }
0x57: {  	_ =	shalt  }
0x58: {  	_ =	shalt  }
0x59: {  	_ =	shalt  }
0x5a: {  	_ =	shalt  }
0x5b: {  	_ =	shalt  }
0x5c: {  	_ =	shalt  }
0x5d: {  	_ =	shalt  }
0x5e: {  	_ =	shalt  }
0x5f: {  	_ =	shalt  }
0x60: {  	_ =	shalt  }
0x61: {  	_ =	shalt  }
0x62: {  	_ =	shalt  }
0x63: {  	_ =	shalt  }
0x64: {  	_ =	shalt  }
0x65: {  	_ =	shalt  }
0x66: {  	_ =	shalt  }
0x67: {  	_ =	shalt  }
0x68: {  	_ =	shalt  }
0x69: {  	_ =	shalt  }
0x6a: {  	_ =	shalt  }
0x6b: {  	_ =	shalt  }
0x6c: {  	_ =	shalt  }
0x6d: {  	_ =	shalt  }
0x6e: {  	_ =	shalt  }
0x6f: {  	_ =	shalt  }
0x70: {  	_ =	shalt  }
0x71: {  	_ =	shalt  }
0x72: {  	_ =	shalt  }
0x73: {  	_ =	shalt  }
0x74: {  	_ =	shalt  }
0x75: {  	_ =	shalt  }
0x76: {  	_ =	shalt  }
0x77: {  	_ =	shalt  }
0x78: {  	_ =	shalt  }
0x79: {  	_ =	shalt  }
0x7a: {  	_ =	shalt  }
0x7b: {  	_ =	shalt  }
0x7c: {  	_ =	shalt  }
0x7d: {  	_ =	shalt  }
0x7e: {  	_ =	shalt  }
0x7f: {  	_ =	shalt  }
0x80: {  	_ =	shalt  }
0x81: {  	_ =	shalt  }
0x82: {  	_ =	shalt  }
0x83: {  	_ =	shalt  }
0x84: {  	_ =	shalt  }
0x85: {  	_ =	shalt  }
0x86: {  	_ =	shalt  }
0x87: {  	_ =	shalt  }
.Lfunc_end0:
.L_simem_size_0:
called_computation.1_lowered:
.L_overlay_start_0:
0x88: {  	s2 =	sld [smem:$0x3FD9]  }
0x89: {  	s3 =	sld [smem:$0x3FFE];
	_ =	sdelay $0x1  }
0x8a: {  	s1 =	srdreg.scid  }
0x8b: {  	s0 =	sand.u32 $0x1, s1  }
0x8c: {  	s14 =	sshll.u32 s0, $0xA;
	s2 =	sadd.s32 s3, s2  }
0x8d: {  	s2 =	sadd.s32 s2, s14  }
0x8e: {  	[smem:$0x3FC6] =	sst s2  }
0x8f: {  	_ = 	snop  }
0x90: {  	s2 =	sld [smem:$0x3FD0];
	_ =	sdelay $0x2  }
0x91: {  	s15 =	simm.s32 $0xA;
	s4 =	simm.s32 $0x10  }
0x92: {  	[smem:s4], [sflag:s15] =	dma.local [hbm:s2], $0x1  }
0x93: {  	_ =	swait.eq [sflag:s15], $0x1  }
0x94: {  	[sflag:s15] =	ssyncset.done $0x0  }
0x95: {  	[sflag:s15] =	ssyncadd.s32 $0xFFFFFFFF  }
0x96: {  	s16 =	sld [smem:$0x11];
	(tm) =	ssettm $0x1  }
0x97: {  	s17 =	sld [smem:$0x3FFB];
	_ =	sdelay $0x3  }
0x98: {  	_ =	strace s17  }
0x99: {  	s3 =	sld [smem:$0x3FFC];
	_ =	sdelay $0x3  }
0x9a: {  	_ =	strace s3  }
0x9b: {  	s3 =	sld [smem:$0x3FFD];
	_ =	sdelay $0x3  }
0x9c: {  	_ =	strace s3  }
0x9d: {  	_ =	strace $0x8FFFFFFF  }
0x9e: {  	s18 =	sld [smem:$0x3FDB];
	_ =	sdelay $0x1  }
0x9f: {  	s19 =	simm.s32 $_scs_section_size  }
0xa0: {  	s5 =	simm.s32 $_size__tile_overlayer_lowered;
	s6 =	simm.s32 $_tile_overlayer_lowered  }
0xa1: {  	s22 =	simm.s32 $0x1BFF;
	s21 =	sshll.u32 s6, $0x1;
	s3 =	sadd.s32 s19, s18  }
0xa2: {  	s7 =	simm.s32 $0x0;
	s20 =	sshll.u32 s5, $0x1;
	s5 =	sadd.s32 s21, s3  }
0xa3: {  	[timem:s7], [sflag:s22] =	dma.local [hbm:s5], s20  }
0xa4: {  	_ =	swait.ge [sflag:s22], s20  }
0xa5: {  	s4 =	ssub.s32 $0x0, s20;
	[sflag:s22] =	ssyncset.done $0x0  }
0xa6: {  	[sflag:s22] =	ssyncadd.s32 s4;
	_ =	sdelay $0x1  }
0xa7: {  	s23 =	simm.s32 $0x1B8B  }
0xa8: {  	_ =	swait.ge [sflag:s23], $0x1  }
0xa9: {  	[sflag:s23] =	ssyncset.done $0x0  }
0xaa: {  	s25 =	simm.s32 $0x1B8E;
	s24 =	sld [smem:$0x3FFE];
	[sflag:s23] =	ssyncadd.s32 $0xFFFFFFFF  }
0xab: {  	s26 =	simm.s32 $execute0_lowered;
	[smem:$0x3FD2] =	sst s25  }
0xac: {  	s5 =	sshll.u32 s26, $0x1;
	_ =	strace $0x80000049;
	[dreg:$0x1] =	wrdreg $0xFFFFFFFF  }
0xad: {  	s28 =	simm.s32 $_size_execute0_lowered;
	s3 =	sadd.s32 s3, s5;
	[dreg:$0x0] =	wrdreg $0x0  }
0xae: {  	s5 =	sshll.u32 s28, $0x1;
	[dreg:$0x2] =	wrdreg s3  }
0xaf: {  	[dreg:$0x3] =	wrdreg s5  }
0xb0: {  	[dreg:$0x4] =	wrdreg $0xC0  }
0xb1: {  	_ =	task [dreg:s7], $0x5FFFF  }
0xb2: {  	[dreg:$0x1] =	wrdreg $0xFFFFFFFF  }
0xb3: {  	[dreg:$0x0] =	wrdreg $0x60  }
0xb4: {  	[dreg:$0x2] =	wrdreg s24  }
0xb5: {  	[dreg:$0x3] =	wrdreg s16  }
0xb6: {  	[dreg:$0x4] =	wrdreg $0x9  }
0xb7: {  	_ =	task.clear_ibuf [dreg:s7], $0x5FFFF;
	_ =	strace $0x90000049  }
0xb8: {  	s29 =	simm.s32 $0x9;
	_ =	strace $0x8000004B  }
0xb9: {  	_ =	swait.ge [sflag:s29], $0x1  }
0xba: {  	[sflag:s29] =	ssyncadd.s32 $0xFFFFFFFF  }
0xbb: {  	_ =	strace $0x9000004B  }
0xbc: {  	_ =	sfence  }
0xbd: {  	s30 =	sld [smem:$0x0];
	_ =	sdelay $0x2  }
0xbe: {  	s31 =	sshll.u32 s1, $0xD;
	s1 =	sshrl.u32 s1, $0x2  }
0xbf: {  	s3 =	sand.u32 $0x4000, s31;
	s1 =	sadd.s32 s1, s30  }
0xc0: {  	s0 =	sor.u32 s3, s0;
	s1 =	sshll.u32 s1, $0x11  }
0xc1: {  	s0 =	sor.u32 s1, s0  }
0xc2: {  	s0 =	sadd.s32 $0x8F2B, s0  }
0xc3: {  	[sflag:s0] =	ssyncadd.remote.s32 $0x1  }
0xc4: {  	_ =	sfence.sel $0xFFFF  }
0xc5: {  	[dreg:$0x0] =	wrdreg $0xFFFFFFFF;
	(pc) =	sbr.abs _section_cstart, $3  }
0xc6: {  	[dreg:$0x1] =	wrdreg $0xFFFFFFFF  }
0xc7: {  	_ =	task.clear_ibuf [dreg:s7], $0x2FFFF;
	_ =	strace $0x9FFFFFFF  }
0xc8: {  	(tm) =	ssettm $0x7FFFFFFF  }
0xc9: {  	_ =	shalt  }
tec
execute0_lowered:
.L_overlay_start_1:
0x0: {  	(tag) =	ssettag $0x1  }
0x1: {  	s5 =	rddreg [dreg:$0x0]  }
0x2: {  	s2 =	rddreg [dreg:$0x1]  }
0x3: {  	s0 =	rddreg [dreg:$0x2]  }
0x4: {  	s4 =	srdreg.scid;
	s1 =	stileid.u32;
	s3 =	simm.s32 $0x0  }
0x5: {  	s16 =	simm.f32 $-1.000000000e+00;
	s9 =	simm.s32 $0x400;
	s10 =	simm.s32 $0x3  }
0x6: {  	s11 =	simm.s32 $0x13C00;
	s12 =	simm.s32 $0x16380;
	s13 =	simm.s32 $0x18B00  }
0x7: {  	s14 =	simm.s32 $0x1B280;
	s15 =	simm.s32 $0x1;
	s17 =	simm.s32 $0x2  }
0x8: {  	s18 =	simm.s32 $0x0;
	s6 =	sand.u32 $0x1, s4;
	s30 =	smul.u32 $0x13C00, s1  }
0x9: {  	[smem:$0x7FF] =	sst s3;
	s4 =	sadd.s32 $0x800, s5;
	s7 =	sshll.u32 s6, $0x9  }
0xa: {  	s8 =	ssub.s32 $0x2, s6;
	s6 =	sor.u32 s6, s1;
	s7 =	sor.u32 s7, s30  }
0xb: {  	_ =	strace $0x8000004A;
	p0 =	seq.s32 s6, $0x0;
	s7 =	sshrl.u32 s7, $0x3  }
0xc: {  	s31 =	sshrl.u32 s8, $0x1;
	s16 =	simm.s32 @!p0 $0x3F800000;
	s7 =	sadd.s32 s7, s5  }
0xd: {  	s8 =	ssub.s32 s8, s31;
	v0 =	vmov s16;
	s16 =	simm.s32 $0x9E00;
	s5 =	sadd.s32 $0xA600, s7  }
0xe: {  	v1 =	vimm.f32 $0.0e+00;
	s6 =	sadd.s32 $0x31E00, s7;
	s7 =	smax.u32 s8, $0x1;
	s8 =	simm.s32 $0x200  }
.LBB2_1:
0xf: {  	[tilespmem:s3], [sflag:$0x3] =	stream.strided.gather [hbm4b:s5+s8], $0x9E00, s9, s8, $0x38;
	[tilespmem:$0x1DA00] =	vst v63  }
0x10: {  	_ =	swait.ge [sflag:s10], $0x9E00  }
0x11: {  	[sflag:s10] =	ssyncset.done $0x0  }
0x12: {  	s19 =	sand.u32 $0x70, s3;
	s20 =	sand.u32 $0xFE00, s3;
	[sflag:s10] =	ssyncadd.s32 $0xFFFF6200  }
0x13: {  	[tilespmem:s11], [sflag:$0x1] =	stream.linear.gather [hbm4b:s4+s3], $0x2710, $0x38;
	[tilespmem:$0x1DA00] =	vst v63  }
0x14: {  	s20 =	sor.u32 s19, s20  }
0x15: {  	[tilespmem:s12], [sflag:$0x1] =	stream.linear.gather [hbm4b:s2+s3], $0x2710, $0x38;
	[tilespmem:$0x1DA00] =	vst v63  }
0x16: {  	s21 =	simm.s32 $0x0;
	s19 =	simm.s32 $0x10;
	[tilespmem:s20+$0x9E00] =	vst v1  }
.LBB2_2:
0x17: {  	p0 =	sne.s32 s19, $0x2700  }
.Ltmp0:
0x18: {  	_ = 	snop;
	(pc) =	sbr.rel @p0 .LBB2_2-.Ltmp0, $4  }
0x19: {  	s21 =	sadd.s32 $0x40, s21  }
0x1a: {  	s20 =	sand.u32 $0x70, s19;
	s22 =	sand.u32 $0xFE00, s21  }
0x1b: {  	s20 =	sor.u32 s20, s22  }
0x1c: {  	s19 =	sadd.s32 $0x10, s19;
	[tilespmem:s20+$0x9E00] =	vst v1;
	s20 =	simm.s32 $0x0  }
0x1d: {  	s19 =	sand.u32 $0x70, s20;
	s21 =	sand.u32 $0xFE00, s20  }
0x1e: {  	s19 =	sor.u32 s19, s21  }
0x1f: {  	s22 =	simm.s32 $0x0;
	s21 =	simm.s32 $0x10;
	[tilespmem:s19+$0x9E80] =	vst v1  }
.LBB2_4:
0x20: {  	p0 =	sne.s32 s21, $0x2700  }
.Ltmp1:
0x21: {  	_ = 	snop;
	(pc) =	sbr.rel @p0 .LBB2_4-.Ltmp1, $4  }
0x22: {  	s22 =	sadd.s32 $0x40, s22  }
0x23: {  	s23 =	sand.u32 $0x70, s21;
	s24 =	sand.u32 $0xFE00, s22  }
0x24: {  	s23 =	sor.u32 s23, s24  }
0x25: {  	s21 =	sadd.s32 $0x10, s21;
	[tilespmem:s23+$0x9E80] =	vst v1  }
0x26: {  	s21 =	simm.s32 $0x10;
	[tilespmem:s19+$0x9F00] =	vst v1  }
.LBB2_6:
0x27: {  	p0 =	sne.s32 s21, $0x2700  }
.Ltmp2:
0x28: {  	_ = 	snop;
	(pc) =	sbr.rel @p0 .LBB2_6-.Ltmp2, $4  }
0x29: {  	s20 =	sadd.s32 $0x40, s20  }
0x2a: {  	s19 =	sand.u32 $0x70, s21;
	s22 =	sand.u32 $0xFE00, s20  }
0x2b: {  	s19 =	sor.u32 s19, s22  }
0x2c: {  	s21 =	sadd.s32 $0x10, s21;
	[tilespmem:s19+$0x9F00] =	vst v1;
	s19 =	simm.s32 $0x0  }
0x2d: {  	s20 =	sand.u32 $0x70, s19;
	s21 =	sand.u32 $0xFE00, s19  }
0x2e: {  	s21 =	sor.u32 s20, s21  }
0x2f: {  	s20 =	simm.s32 $0x10;
	[tilespmem:s21+$0x9F80] =	vst v1;
	s21 =	simm.s32 $0x0  }
.LBB2_8:
0x30: {  	p0 =	sne.s32 s20, $0x2700  }
.Ltmp3:
0x31: {  	_ = 	snop;
	(pc) =	sbr.rel @p0 .LBB2_8-.Ltmp3, $4  }
0x32: {  	s21 =	sadd.s32 $0x40, s21  }
0x33: {  	s22 =	sand.u32 $0x70, s20;
	s23 =	sand.u32 $0xFE00, s21  }
0x34: {  	s22 =	sor.u32 s22, s23  }
0x35: {  	s20 =	sadd.s32 $0x10, s20;
	[tilespmem:s22+$0x9F80] =	vst v1  }
.LBB2_9:
0x36: {  	s20 =	smul.u32 $0x4E20, s19;
	_ =	sdelay $0x1  }
0x37: {  	s21 =	sshrl.u32 s20, $0x3  }
0x38: {  	s21 =	sadd.s32 $0x4E2, s21  }
0x39: {  	s22 =	sadd.s32 s4, s21  }
0x3a: {  	[tilespmem:s13], [sflag:$0x2] =	stream.linear.gather [hbm4b:s22+s3], $0x2710, $0x38;
	[tilespmem:$0x1DA00] =	vst v63  }
0x3b: {  	s21 =	sadd.s32 s2, s21  }
0x3c: {  	[tilespmem:s14], [sflag:$0x2] =	stream.linear.gather [hbm4b:s21+s3], $0x2710, $0x38;
	[tilespmem:$0x1DA00] =	vst v63  }
0x3d: {  	_ =	swait.ge [sflag:s15], $0x2710  }
0x3e: {  	[sflag:s15] =	ssyncset.done $0x0  }
0x3f: {  	[sflag:s15] =	ssyncadd.s32 $0xFFFFD8F0  }
0x40: {  	_ =	swait.ge [sflag:s15], $0x2710  }
0x41: {  	[sflag:s15] =	ssyncset.done $0x0  }
0x42: {  	s29 =	simm.s32 $0x13C10;
	[sflag:s15] =	ssyncadd.s32 $0xFFFFD8F0  }
0x43: {  	v2 =	vld [tilespmem:s29+$0x0];
	_ =	sdelay $0x4  }
0x44: {  	v3 =	vld [tilespmem:s29+$0xFFFFFFF0];
	v4 =	vshrl.u32 v2, $0xE;
	v5 =	vshrl.u32 v2, $0xC  }
0x45: {  	v6 =	vshll.u32 v2, $0x2;
	v4 =	vand.u32 $0x7F, v4;
	v5 =	vand.u32 $0xFFE00, v5  }
0x46: {  	v2 =	vand.u32 $0x7F, v2;
	v4 =	vor.u32 v4, v5;
	v5 =	vand.u32 $0xFE00, v6  }
0x47: {  	v5 =	vor.u32 v2, v5  }
0x48: {  	s30 =	simm.s32 $0x16390  }
0x49: {  	v7 =	vld [tilespmem:s30+$0x0];
	v6 =	vshrl.u32 v3, $0xC;
	v2 =	vshrl.u32 v3, $0xE  }
0x4a: {  	v8 =	vshll.u32 v3, $0x2;
	v6 =	vand.u32 $0xFFE00, v6;
	v2 =	vand.u32 $0x7F, v2  }
0x4b: {  	v9 =	vor.u32 v2, v6;
	v2 =	vand.u32 $0x7F, v3;
	v3 =	vand.u32 $0xFE00, v8;
	v6 =	vld.idx.msk [tilespmem:v4+s3+$0x0], $0xffff  }
0x4c: {  	v8 =	vor.u32 v2, v3;
	v3 =	vld.idx.msk [tilespmem:v5+s3+$0x0], $0xffff;
	_ =	sdelay $0x1  }
0x4d: {  	v10 =	vmul.f32 v7, v0;
	v2 =	vld [tilespmem:s30+$0xFFFFFFF0]  }
0x4e: {  	v11 =	vor.u32 $0x80, v4  }
0x4f: {  	v13 =	vor.u32 $0x80, v5;
	v12 =	vld.idx.msk [tilespmem:v9+s3+$0x0], $0xffff;
	v6 =	vmul.f32 v6, v10  }
0x50: {  	v14 =	vld.idx.msk [tilespmem:v8+s3+$0x0], $0xffff;
	v3 =	vmul.f32 v3, v10  }
0x51: {  	[tilespmem:v5+s16+$0x0] =	vst.idx.add.f32.msk $0xffff, v6  }
0x52: {  	v6 =	vmul.f32 v2, v0;
	[tilespmem:v4+s16+$0x0] =	vst.idx.add.f32.msk $0xffff, v3  }
0x53: {  	v3 =	vor.u32 $0x80, v9;
	v10 =	vld.idx.msk [tilespmem:v11+s3+$0x0], $0xffff  }
0x54: {  	v15 =	vor.u32 $0x80, v8;
	v12 =	vmul.f32 v12, v6;
	v16 =	vld.idx.msk [tilespmem:v13+s3+$0x0], $0xffff  }
0x55: {  	v6 =	vmul.f32 v14, v6  }
0x56: {  	[tilespmem:v8+s16+$0x0] =	vst.idx.add.f32.msk $0xffff, v12  }
0x57: {  	[tilespmem:v9+s16+$0x0] =	vst.idx.add.f32.msk $0xffff, v6;
	v6 =	vor.u32 $0x100, v4  }
0x58: {  	v14 =	vor.u32 $0x100, v5;
	v12 =	vld.idx.msk [tilespmem:v3+s3+$0x0], $0xffff;
	v10 =	vmul.f32 v10, v7  }
0x59: {  	v17 =	vld.idx.msk [tilespmem:v15+s3+$0x0], $0xffff;
	v16 =	vmul.f32 v16, v7  }
0x5a: {  	[tilespmem:v13+s16+$0x0] =	vst.idx.add.f32.msk $0xffff, v10  }
0x5b: {  	[tilespmem:v11+s16+$0x0] =	vst.idx.add.f32.msk $0xffff, v16  }
0x5c: {  	v10 =	vld.idx.msk [tilespmem:v6+s3+$0x0], $0xffff  }
0x5d: {  	s31 =	simm.s32 $0x13C30;
	v11 =	vld.idx.msk [tilespmem:v14+s3+$0x0], $0xffff  }
0x5e: {  	v13 =	vld [tilespmem:s31+$0x0];
	v12 =	vmul.f32 v12, v2  }
0x5f: {  	v16 =	vmul.f32 v17, v2  }
0x60: {  	[tilespmem:v15+s16+$0x0] =	vst.idx.add.f32.msk $0xffff, v12;
	v12 =	vor.u32 $0x180, v4  }
0x61: {  	[tilespmem:v3+s16+$0x0] =	vst.idx.add.f32.msk $0xffff, v16;
	v16 =	vor.u32 $0x100, v8;
	v4 =	vmul.f32 v10, v7  }
0x62: {  	v5 =	vor.u32 $0x180, v5;
	v15 =	vld [tilespmem:s31+$0xFFFFFFF0];
	v3 =	vmul.f32 v11, v7  }
0x63: {  	v10 =	vor.u32 $0x100, v9;
	v11 =	vshrl.u32 v13, $0xC;
	[tilespmem:v14+s16+$0x0] =	vst.idx.add.f32.msk $0xffff, v4;
	v4 =	vshrl.u32 v13, $0xE  }
0x64: {  	[tilespmem:v6+s16+$0x0] =	vst.idx.add.f32.msk $0xffff, v3;
	v3 =	vand.u32 $0x7F, v4;
	v4 =	vand.u32 $0xFFE00, v11;
	v6 =	vshll.u32 v13, $0x2  }
0x65: {  	v11 =	vld.idx.msk [tilespmem:v12+s3+$0x0], $0xffff;
	v4 =	vor.u32 v3, v4;
	v3 =	vand.u32 $0x7F, v13;
	v6 =	vand.u32 $0xFE00, v6  }
0x66: {  	v18 =	vld.idx.msk [tilespmem:v16+s3+$0x0], $0xffff;
	v6 =	vor.u32 v3, v6  }
0x67: {  	v17 =	vshrl.u32 v15, $0xC;
	v13 =	vld.idx.msk [tilespmem:v5+s3+$0x0], $0xffff;
	v3 =	vshrl.u32 v15, $0xE  }
0x68: {  	s21 =	simm.s32 $0x163B0;
	v17 =	vand.u32 $0xFFE00, v17;
	v14 =	vld.idx.msk [tilespmem:v10+s3+$0x0], $0xffff;
	v3 =	vand.u32 $0x7F, v3  }
0x69: {  	v19 =	vshll.u32 v15, $0x2;
	v17 =	vor.u32 v3, v17;
	v3 =	vld [tilespmem:s21+$0x0]  }
0x6a: {  	v19 =	vand.u32 $0xFE00, v19;
	v15 =	vand.u32 $0x7F, v15;
	v20 =	vld.idx.msk [tilespmem:v4+s3+$0x0], $0xffff;
	v11 =	vmul.f32 v11, v7  }
0x6b: {  	v15 =	vor.u32 v15, v19;
	v19 =	vld.idx.msk [tilespmem:v6+s3+$0x0], $0xffff  }
0x6c: {  	v7 =	vmul.f32 v13, v7;
	[tilespmem:v5+s16+$0x0] =	vst.idx.add.f32.msk $0xffff, v11  }
0x6d: {  	v11 =	vld [tilespmem:s21+$0xFFFFFFF0]  }
0x6e: {  	[tilespmem:v12+s16+$0x0] =	vst.idx.add.f32.msk $0xffff, v7;
	v5 =	vmul.f32 v3, v0  }
0x6f: {  	v7 =	vmul.f32 v14, v2;
	v12 =	vld.idx.msk [tilespmem:v17+s3+$0x0], $0xffff  }
0x70: {  	v21 =	vor.u32 $0x80, v4;
	v14 =	vld.idx.msk [tilespmem:v15+s3+$0x0], $0xffff;
	v13 =	vmul.f32 v20, v5  }
0x71: {  	v20 =	vor.u32 $0x80, v6;
	[tilespmem:v16+s16+$0x0] =	vst.idx.add.f32.msk $0xffff, v7;
	v16 =	vmul.f32 v18, v2  }
0x72: {  	v5 =	vmul.f32 v19, v5;
	[tilespmem:v6+s16+$0x0] =	vst.idx.add.f32.msk $0xffff, v13  }
0x73: {  	v7 =	vmul.f32 v11, v0;
	[tilespmem:v10+s16+$0x0] =	vst.idx.add.f32.msk $0xffff, v16  }
0x74: {  	v13 =	vor.u32 $0x80, v17;
	[tilespmem:v4+s16+$0x0] =	vst.idx.add.f32.msk $0xffff, v5  }
0x75: {  	v22 =	vor.u32 $0x80, v15;
	v18 =	vld.idx.msk [tilespmem:v21+s3+$0x0], $0xffff;
	v12 =	vmul.f32 v12, v7  }
0x76: {  	v5 =	vor.u32 $0x180, v9;
	v7 =	vmul.f32 v14, v7;
	v19 =	vld.idx.msk [tilespmem:v20+s3+$0x0], $0xffff  }
0x77: {  	[tilespmem:v15+s16+$0x0] =	vst.idx.add.f32.msk $0xffff, v12  }
0x78: {  	[tilespmem:v17+s16+$0x0] =	vst.idx.add.f32.msk $0xffff, v7  }
0x79: {  	v14 =	vor.u32 $0x100, v4;
	v9 =	vld.idx.msk [tilespmem:v13+s3+$0x0], $0xffff  }
0x7a: {  	v16 =	vor.u32 $0x100, v6;
	v23 =	vld.idx.msk [tilespmem:v22+s3+$0x0], $0xffff;
	v10 =	vmul.f32 v18, v3  }
0x7b: {  	v7 =	vor.u32 $0x180, v8;
	v24 =	vld.idx.msk [tilespmem:v5+s3+$0x0], $0xffff;
	v8 =	vmul.f32 v19, v3  }
0x7c: {  	[tilespmem:v20+s16+$0x0] =	vst.idx.add.f32.msk $0xffff, v10  }
0x7d: {  	[tilespmem:v21+s16+$0x0] =	vst.idx.add.f32.msk $0xffff, v8  }
0x7e: {  	v19 =	vld.idx.msk [tilespmem:v14+s3+$0x0], $0xffff  }
0x7f: {  	v21 =	vmul.f32 v9, v11;
	v18 =	vld.idx.msk [tilespmem:v16+s3+$0x0], $0xffff  }
0x80: {  	v12 =	vor.u32 $0x180, v15;
	v8 =	vor.u32 $0x100, v17;
	v9 =	vor.u32 $0x180, v17;
	v17 =	vld.idx.msk [tilespmem:v7+s3+$0x0], $0xffff  }
0x81: {  	s23 =	simm.s32 $0x13C50;
	s22 =	simm.s32 $0x2;
	v10 =	vor.u32 $0x100, v15;
	v20 =	vmul.f32 v23, v11;
	v15 =	vmul.f32 v24, v2;
	[tilespmem:v22+s16+$0x0] =	vst.idx.add.f32.msk $0xffff, v21  }
.LBB2_10:
0x82: {  	v21 =	vld [tilespmem:s23+$0x0]  }
0x83: {  	v23 =	vor.u32 $0x180, v4;
	v22 =	vld [tilespmem:s23+$0xFFFFFFF0]  }
0x84: {  	v4 =	vmul.f32 v19, v3;
	v19 =	vor.u32 $0x180, v6;
	[tilespmem:v13+s16+$0x0] =	vst.idx.add.f32.msk $0xffff, v20  }
0x85: {  	v6 =	vmul.f32 v18, v3;
	v20 =	vld.idx.msk [tilespmem:v8+s3+$0x0], $0xffff  }
0x86: {  	s22 =	sadd.s32 $0x2, s22;
	v13 =	vmul.f32 v17, v2;
	v2 =	vmov v11;
	[tilespmem:v16+s16+$0x0] =	vst.idx.add.f32.msk $0xffff, v4  }
0x87: {  	p0 =	slt.u32 s22, $0x26E;
	v4 =	vshrl.u32 v21, $0xE;
	v11 =	vshrl.u32 v21, $0xC;
	[tilespmem:v14+s16+$0x0] =	vst.idx.add.f32.msk $0xffff, v6  }
0x88: {  	v4 =	vand.u32 $0x7F, v4;
	v6 =	vand.u32 $0xFFE00, v11;
	v11 =	vshll.u32 v21, $0x2;
	v14 =	vld.idx.msk [tilespmem:v23+s3+$0x0], $0xffff  }
0x89: {  	v4 =	vor.u32 v4, v6;
	v6 =	vand.u32 $0x7F, v21;
	v11 =	vand.u32 $0xFE00, v11;
	v16 =	vld.idx.msk [tilespmem:v19+s3+$0x0], $0xffff  }
0x8a: {  	v17 =	vshrl.u32 v22, $0xE;
	v18 =	vshrl.u32 v22, $0xC;
	v6 =	vor.u32 v6, v11;
	v11 =	vld.idx.msk [tilespmem:v10+s3+$0x0], $0xffff  }
0x8b: {  	v17 =	vand.u32 $0x7F, v17;
	v18 =	vand.u32 $0xFFE00, v18;
	v21 =	vshll.u32 v22, $0x2;
	[tilespmem:v7+s16+$0x0] =	vst.idx.add.f32.msk $0xffff, v15;
	v7 =	vmovc v12  }
0x8c: {  	s21 =	sadd.s32 $0x20, s21;
	v15 =	vor.u32 v17, v18;
	v12 =	vand.u32 $0x7F, v22;
	v17 =	vand.u32 $0xFE00, v21;
	[tilespmem:v5+s16+$0x0] =	vst.idx.add.f32.msk $0xffff, v13;
	v5 =	vmovc v9  }
0x8d: {  	v17 =	vor.u32 v12, v17;
	v13 =	vor.u32 $0x80, v15;
	v18 =	vor.u32 $0x100, v15;
	v21 =	vld [tilespmem:s21+$0x0]  }
0x8e: {  	v22 =	vor.u32 $0x80, v17;
	v24 =	vor.u32 $0x100, v17;
	v14 =	vmul.f32 v14, v3;
	v25 =	vld.idx.msk [tilespmem:v4+s3+$0x0], $0xffff  }
0x8f: {  	v20 =	vmul.f32 v20, v2;
	v9 =	vor.u32 $0x180, v15;
	v27 =	vmul.f32 v16, v3;
	v26 =	vld.idx.msk [tilespmem:v6+s3+$0x0], $0xffff  }
0x90: {  	v12 =	vor.u32 $0x180, v17;
	v16 =	vmul.f32 v11, v2;
	[tilespmem:v19+s16+$0x0] =	vst.idx.add.f32.msk $0xffff, v14  }
0x91: {  	[tilespmem:v23+s16+$0x0] =	vst.idx.add.f32.msk $0xffff, v27  }
0x92: {  	v11 =	vld [tilespmem:s21+$0xFFFFFFF0];
	v14 =	vmul.f32 v21, v0;
	v3 =	vmov v21  }
0x93: {  	v21 =	vor.u32 $0x80, v4;
	v19 =	vld.idx.msk [tilespmem:v15+s3+$0x0], $0xffff  }
0x94: {  	v27 =	vor.u32 $0x80, v6;
	v23 =	vld.idx.msk [tilespmem:v17+s3+$0x0], $0xffff;
	v25 =	vmul.f32 v25, v14  }
0x95: {  	v14 =	vmul.f32 v26, v14;
	[tilespmem:v10+s16+$0x0] =	vst.idx.add.f32.msk $0xffff, v20;
	v10 =	vmov v24  }
0x96: {  	[tilespmem:v6+s16+$0x0] =	vst.idx.add.f32.msk $0xffff, v25  }
0x97: {  	v20 =	vmul.f32 v11, v0;
	[tilespmem:v4+s16+$0x0] =	vst.idx.add.f32.msk $0xffff, v14  }
0x98: {  	v24 =	vld.idx.msk [tilespmem:v21+s3+$0x0], $0xffff  }
0x99: {  	v14 =	vmul.f32 v19, v20;
	v19 =	vld.idx.msk [tilespmem:v27+s3+$0x0], $0xffff  }
0x9a: {  	v20 =	vmul.f32 v23, v20;
	[tilespmem:v8+s16+$0x0] =	vst.idx.add.f32.msk $0xffff, v16;
	v8 =	vmov v18  }
0x9b: {  	[tilespmem:v17+s16+$0x0] =	vst.idx.add.f32.msk $0xffff, v14  }
0x9c: {  	[tilespmem:v15+s16+$0x0] =	vst.idx.add.f32.msk $0xffff, v20  }
0x9d: {  	v14 =	vor.u32 $0x100, v4;
	v15 =	vld.idx.msk [tilespmem:v13+s3+$0x0], $0xffff  }
0x9e: {  	v16 =	vor.u32 $0x100, v6;
	v18 =	vmul.f32 v24, v3;
	v17 =	vld.idx.msk [tilespmem:v22+s3+$0x0], $0xffff  }
0x9f: {  	v19 =	vmul.f32 v19, v3;
	v23 =	vld.idx.msk [tilespmem:v5+s3+$0x0], $0xffff  }
0xa0: {  	[tilespmem:v27+s16+$0x0] =	vst.idx.add.f32.msk $0xffff, v18  }
.Ltmp4:
0xa1: {  	[tilespmem:v21+s16+$0x0] =	vst.idx.add.f32.msk $0xffff, v19;
	(pc) =	sbr.rel @p0 .LBB2_10-.Ltmp4, $4  }
0xa2: {  	v19 =	vld.idx.msk [tilespmem:v14+s3+$0x0], $0xffff  }
0xa3: {  	v15 =	vmul.f32 v15, v11;
	v18 =	vld.idx.msk [tilespmem:v16+s3+$0x0], $0xffff  }
0xa4: {  	v20 =	vmul.f32 v17, v11;
	v17 =	vld.idx.msk [tilespmem:v7+s3+$0x0], $0xffff  }
0xa5: {  	s23 =	sadd.s32 $0x20, s23;
	[tilespmem:v22+s16+$0x0] =	vst.idx.add.f32.msk $0xffff, v15;
	v15 =	vmul.f32 v23, v2  }
0xa6: {  	_ =	sdelay $0x3  }
0xa7: {  	[tilespmem:v13+s16+$0x0] =	vst.idx.add.f32.msk $0xffff, v20  }
0xa8: {  	v4 =	vor.u32 $0x180, v4;
	v13 =	vld.idx.msk [tilespmem:v8+s3+$0x0], $0xffff  }
0xa9: {  	v6 =	vor.u32 $0x180, v6;
	v19 =	vmul.f32 v19, v3;
	v20 =	vld.idx.msk [tilespmem:v10+s3+$0x0], $0xffff  }
0xaa: {  	v18 =	vmul.f32 v18, v3  }
0xab: {  	[tilespmem:v16+s16+$0x0] =	vst.idx.add.f32.msk $0xffff, v19  }
0xac: {  	[tilespmem:v14+s16+$0x0] =	vst.idx.add.f32.msk $0xffff, v18  }
0xad: {  	v14 =	vld.idx.msk [tilespmem:v4+s3+$0x0], $0xffff;
	v13 =	vmul.f32 v13, v11  }
0xae: {  	v16 =	vld.idx.msk [tilespmem:v6+s3+$0x0], $0xffff;
	v18 =	vmul.f32 v20, v11  }
0xaf: {  	[tilespmem:v10+s16+$0x0] =	vst.idx.add.f32.msk $0xffff, v13  }
0xb0: {  	[tilespmem:v8+s16+$0x0] =	vst.idx.add.f32.msk $0xffff, v18  }
0xb1: {  	v8 =	vld.idx.msk [tilespmem:v9+s3+$0x0], $0xffff  }
0xb2: {  	v10 =	vld.idx.msk [tilespmem:v12+s3+$0x0], $0xffff  }
0xb3: {  	v2 =	vmul.f32 v17, v2  }
0xb4: {  	[tilespmem:v7+s16+$0x0] =	vst.idx.add.f32.msk $0xffff, v15;
	v7 =	vmul.f32 v14, v3  }
0xb5: {  	[tilespmem:v5+s16+$0x0] =	vst.idx.add.f32.msk $0xffff, v2;
	v2 =	vmul.f32 v16, v3  }
0xb6: {  	[tilespmem:v6+s16+$0x0] =	vst.idx.add.f32.msk $0xffff, v7;
	v3 =	vmul.f32 v8, v11  }
0xb7: {  	[tilespmem:v4+s16+$0x0] =	vst.idx.add.f32.msk $0xffff, v2;
	v2 =	vmul.f32 v10, v11  }
0xb8: {  	[tilespmem:v12+s16+$0x0] =	vst.idx.add.f32.msk $0xffff, v3  }
0xb9: {  	[tilespmem:v9+s16+$0x0] =	vst.idx.add.f32.msk $0xffff, v2  }
0xba: {  	v2 =	vld [tilespmem:$0x16300];
	_ =	sdelay $0x4  }
0xbb: {  	v3 =	vshrl.u32 v2, $0xE;
	v4 =	vshrl.u32 v2, $0xC  }
0xbc: {  	v5 =	vshll.u32 v2, $0x2;
	v3 =	vand.u32 $0x7F, v3;
	v4 =	vand.u32 $0xFFE00, v4  }
0xbd: {  	v2 =	vand.u32 $0x7F, v2;
	v3 =	vor.u32 v3, v4;
	v4 =	vand.u32 $0xFE00, v5  }
0xbe: {  	v2 =	vor.u32 v2, v4;
	_ =	sdelay $0x1  }
0xbf: {  	v4 =	vld [tilespmem:$0x18A80];
	_ =	sdelay $0x1  }
0xc0: {  	v5 =	vld.idx.msk [tilespmem:v3+s3+$0x0], $0xffff  }
0xc1: {  	v6 =	vld.idx.msk [tilespmem:v2+s3+$0x0], $0xffff;
	_ =	sdelay $0x1  }
0xc2: {  	v7 =	vmul.f32 v4, v0  }
0xc3: {  	v8 =	vor.u32 $0x80, v3  }
0xc4: {  	v9 =	vor.u32 $0x80, v2;
	v5 =	vmul.f32 v5, v7  }
0xc5: {  	v6 =	vmul.f32 v6, v7  }
0xc6: {  	[tilespmem:v2+s16+$0x0] =	vst.idx.add.f32.msk $0xffff, v5  }
0xc7: {  	[tilespmem:v3+s16+$0x0] =	vst.idx.add.f32.msk $0xffff, v6  }
0xc8: {  	v5 =	vld.idx.msk [tilespmem:v8+s3+$0x0], $0xffff  }
0xc9: {  	v6 =	vld.idx.msk [tilespmem:v9+s3+$0x0], $0xffff;
	_ =	sdelay $0x2  }
0xca: {  	v7 =	vor.u32 $0x100, v3  }
0xcb: {  	v10 =	vor.u32 $0x100, v2;
	v5 =	vmul.f32 v5, v4  }
0xcc: {  	v6 =	vmul.f32 v6, v4  }
0xcd: {  	[tilespmem:v9+s16+$0x0] =	vst.idx.add.f32.msk $0xffff, v5  }
0xce: {  	[tilespmem:v8+s16+$0x0] =	vst.idx.add.f32.msk $0xffff, v6  }
0xcf: {  	v5 =	vld.idx.msk [tilespmem:v7+s3+$0x0], $0xffff  }
0xd0: {  	v6 =	vld.idx.msk [tilespmem:v10+s3+$0x0], $0xffff;
	_ =	sdelay $0x2  }
0xd1: {  	v3 =	vor.u32 $0x180, v3  }
0xd2: {  	v2 =	vor.u32 $0x180, v2;
	v5 =	vmul.f32 v5, v4  }
0xd3: {  	v6 =	vmul.f32 v6, v4  }
0xd4: {  	[tilespmem:v10+s16+$0x0] =	vst.idx.add.f32.msk $0xffff, v5  }
0xd5: {  	[tilespmem:v7+s16+$0x0] =	vst.idx.add.f32.msk $0xffff, v6  }
0xd6: {  	v5 =	vld.idx.msk [tilespmem:v3+s3+$0x0], $0xffff  }
0xd7: {  	v6 =	vld.idx.msk [tilespmem:v2+s3+$0x0], $0xffff;
	_ =	sdelay $0x3  }
0xd8: {  	p0 =	seq.s32 s19, $0xF;
	v5 =	vmul.f32 v5, v4  }
0xd9: {  	s20 =	sshrl.u32 @!p0 s20, $0x3;
	v4 =	vmul.f32 v6, v4  }
0xda: {  	s20 =	sadd.s32 @!p0 $0x9C4, s20;
	[tilespmem:v2+s16+$0x0] =	vst.idx.add.f32.msk $0xffff, v5  }
0xdb: {  	s22 =	simm.s32 @!p0 $0x0;
	s23 =	simm.s32 @!p0 $0x13C00;
	s21 =	sadd.s32 @!p0 s4, s20;
	[tilespmem:v3+s16+$0x0] =	vst.idx.add.f32.msk $0xffff, v4  }
0xdc: {  	[tilespmem:s23], [sflag:$0x1] =	stream.linear.gather @!p0 [hbm4b:s21+s22], $0x2710, $0x38;
	[tilespmem:$0x1DA00] =	vst v63  }
0xdd: {  	s20 =	sadd.s32 @!p0 s2, s20;
	s21 =	simm.s32 @!p0 $0x16380  }
0xde: {  	[tilespmem:s21], [sflag:$0x1] =	stream.linear.gather @!p0 [hbm4b:s20+s22], $0x2710, $0x38;
	[tilespmem:$0x1DA00] =	vst v63  }
0xdf: {  	_ =	swait.ge [sflag:s17], $0x2710  }
0xe0: {  	[sflag:s17] =	ssyncset.done $0x0  }
0xe1: {  	[sflag:s17] =	ssyncadd.s32 $0xFFFFD8F0  }
0xe2: {  	_ =	swait.ge [sflag:s17], $0x2710  }
0xe3: {  	[sflag:s17] =	ssyncset.done $0x0  }
0xe4: {  	s29 =	simm.s32 $0x18B10;
	[sflag:s17] =	ssyncadd.s32 $0xFFFFD8F0  }
0xe5: {  	v2 =	vld [tilespmem:s29+$0x0];
	_ =	sdelay $0x4  }
0xe6: {  	v3 =	vld [tilespmem:s29+$0xFFFFFFF0];
	v4 =	vshrl.u32 v2, $0xE;
	v5 =	vshrl.u32 v2, $0xC  }
0xe7: {  	v6 =	vshll.u32 v2, $0x2;
	v4 =	vand.u32 $0x7F, v4;
	v5 =	vand.u32 $0xFFE00, v5  }
0xe8: {  	v2 =	vand.u32 $0x7F, v2;
	v4 =	vor.u32 v4, v5;
	v5 =	vand.u32 $0xFE00, v6  }
0xe9: {  	v5 =	vor.u32 v2, v5  }
0xea: {  	s30 =	simm.s32 $0x1B290  }
0xeb: {  	v7 =	vld [tilespmem:s30+$0x0];
	v6 =	vshrl.u32 v3, $0xC;
	v2 =	vshrl.u32 v3, $0xE  }
0xec: {  	v8 =	vshll.u32 v3, $0x2;
	v6 =	vand.u32 $0xFFE00, v6;
	v2 =	vand.u32 $0x7F, v2  }
0xed: {  	v9 =	vor.u32 v2, v6;
	v2 =	vand.u32 $0x7F, v3;
	v3 =	vand.u32 $0xFE00, v8;
	v6 =	vld.idx.msk [tilespmem:v4+s3+$0x0], $0xffff  }
0xee: {  	v8 =	vor.u32 v2, v3;
	v3 =	vld.idx.msk [tilespmem:v5+s3+$0x0], $0xffff;
	_ =	sdelay $0x1  }
0xef: {  	v10 =	vmul.f32 v7, v0;
	v2 =	vld [tilespmem:s30+$0xFFFFFFF0]  }
0xf0: {  	v11 =	vor.u32 $0x80, v4  }
0xf1: {  	v13 =	vor.u32 $0x80, v5;
	v12 =	vld.idx.msk [tilespmem:v9+s3+$0x0], $0xffff;
	v6 =	vmul.f32 v6, v10  }
0xf2: {  	v14 =	vld.idx.msk [tilespmem:v8+s3+$0x0], $0xffff;
	v3 =	vmul.f32 v3, v10  }
0xf3: {  	[tilespmem:v5+s16+$0x0] =	vst.idx.add.f32.msk $0xffff, v6  }
0xf4: {  	v6 =	vmul.f32 v2, v0;
	[tilespmem:v4+s16+$0x0] =	vst.idx.add.f32.msk $0xffff, v3  }
0xf5: {  	v3 =	vor.u32 $0x80, v9;
	v10 =	vld.idx.msk [tilespmem:v11+s3+$0x0], $0xffff  }
0xf6: {  	v15 =	vor.u32 $0x80, v8;
	v12 =	vmul.f32 v12, v6;
	v16 =	vld.idx.msk [tilespmem:v13+s3+$0x0], $0xffff  }
0xf7: {  	v6 =	vmul.f32 v14, v6  }
0xf8: {  	[tilespmem:v8+s16+$0x0] =	vst.idx.add.f32.msk $0xffff, v12  }
0xf9: {  	[tilespmem:v9+s16+$0x0] =	vst.idx.add.f32.msk $0xffff, v6;
	v6 =	vor.u32 $0x100, v4  }
0xfa: {  	v14 =	vor.u32 $0x100, v5;
	v12 =	vld.idx.msk [tilespmem:v3+s3+$0x0], $0xffff;
	v10 =	vmul.f32 v10, v7  }
0xfb: {  	v17 =	vld.idx.msk [tilespmem:v15+s3+$0x0], $0xffff;
	v16 =	vmul.f32 v16, v7  }
0xfc: {  	[tilespmem:v13+s16+$0x0] =	vst.idx.add.f32.msk $0xffff, v10  }
0xfd: {  	[tilespmem:v11+s16+$0x0] =	vst.idx.add.f32.msk $0xffff, v16  }
0xfe: {  	v10 =	vld.idx.msk [tilespmem:v6+s3+$0x0], $0xffff  }
0xff: {  	s31 =	simm.s32 $0x18B30;
	v11 =	vld.idx.msk [tilespmem:v14+s3+$0x0], $0xffff  }
0x100: {  	v13 =	vld [tilespmem:s31+$0x0];
	v12 =	vmul.f32 v12, v2  }
0x101: {  	v16 =	vmul.f32 v17, v2  }
0x102: {  	[tilespmem:v15+s16+$0x0] =	vst.idx.add.f32.msk $0xffff, v12;
	v12 =	vor.u32 $0x180, v4  }
0x103: {  	[tilespmem:v3+s16+$0x0] =	vst.idx.add.f32.msk $0xffff, v16;
	v16 =	vor.u32 $0x100, v8;
	v4 =	vmul.f32 v10, v7  }
0x104: {  	v5 =	vor.u32 $0x180, v5;
	v15 =	vld [tilespmem:s31+$0xFFFFFFF0];
	v3 =	vmul.f32 v11, v7  }
0x105: {  	v10 =	vor.u32 $0x100, v9;
	v11 =	vshrl.u32 v13, $0xC;
	[tilespmem:v14+s16+$0x0] =	vst.idx.add.f32.msk $0xffff, v4;
	v4 =	vshrl.u32 v13, $0xE  }
0x106: {  	[tilespmem:v6+s16+$0x0] =	vst.idx.add.f32.msk $0xffff, v3;
	v3 =	vand.u32 $0x7F, v4;
	v4 =	vand.u32 $0xFFE00, v11;
	v6 =	vshll.u32 v13, $0x2  }
0x107: {  	v11 =	vld.idx.msk [tilespmem:v12+s3+$0x0], $0xffff;
	v4 =	vor.u32 v3, v4;
	v3 =	vand.u32 $0x7F, v13;
	v6 =	vand.u32 $0xFE00, v6  }
0x108: {  	v18 =	vld.idx.msk [tilespmem:v16+s3+$0x0], $0xffff;
	v6 =	vor.u32 v3, v6  }
0x109: {  	v17 =	vshrl.u32 v15, $0xC;
	v13 =	vld.idx.msk [tilespmem:v5+s3+$0x0], $0xffff;
	v3 =	vshrl.u32 v15, $0xE  }
0x10a: {  	s20 =	simm.s32 $0x1B2B0;
	v17 =	vand.u32 $0xFFE00, v17;
	v14 =	vld.idx.msk [tilespmem:v10+s3+$0x0], $0xffff;
	v3 =	vand.u32 $0x7F, v3  }
0x10b: {  	v19 =	vshll.u32 v15, $0x2;
	v17 =	vor.u32 v3, v17;
	v3 =	vld [tilespmem:s20+$0x0]  }
0x10c: {  	v19 =	vand.u32 $0xFE00, v19;
	v15 =	vand.u32 $0x7F, v15;
	v20 =	vld.idx.msk [tilespmem:v4+s3+$0x0], $0xffff;
	v11 =	vmul.f32 v11, v7  }
0x10d: {  	v21 =	vor.u32 v15, v19;
	v15 =	vld.idx.msk [tilespmem:v6+s3+$0x0], $0xffff  }
0x10e: {  	v7 =	vmul.f32 v13, v7;
	[tilespmem:v5+s16+$0x0] =	vst.idx.add.f32.msk $0xffff, v11  }
0x10f: {  	v11 =	vld [tilespmem:s20+$0xFFFFFFF0]  }
0x110: {  	[tilespmem:v12+s16+$0x0] =	vst.idx.add.f32.msk $0xffff, v7;
	v5 =	vmul.f32 v3, v0  }
0x111: {  	v7 =	vmul.f32 v14, v2;
	v12 =	vld.idx.msk [tilespmem:v17+s3+$0x0], $0xffff  }
0x112: {  	v19 =	vor.u32 $0x80, v4;
	v14 =	vld.idx.msk [tilespmem:v21+s3+$0x0], $0xffff;
	v13 =	vmul.f32 v20, v5  }
0x113: {  	v20 =	vor.u32 $0x80, v6;
	[tilespmem:v16+s16+$0x0] =	vst.idx.add.f32.msk $0xffff, v7;
	v5 =	vmul.f32 v15, v5  }
0x114: {  	v15 =	vmul.f32 v18, v2;
	[tilespmem:v6+s16+$0x0] =	vst.idx.add.f32.msk $0xffff, v13  }
0x115: {  	v7 =	vmul.f32 v11, v0;
	[tilespmem:v4+s16+$0x0] =	vst.idx.add.f32.msk $0xffff, v5  }
0x116: {  	v13 =	vor.u32 $0x80, v17;
	[tilespmem:v10+s16+$0x0] =	vst.idx.add.f32.msk $0xffff, v15  }
0x117: {  	v22 =	vor.u32 $0x80, v21;
	v16 =	vld.idx.msk [tilespmem:v19+s3+$0x0], $0xffff;
	v12 =	vmul.f32 v12, v7  }
0x118: {  	v5 =	vor.u32 $0x180, v9;
	v7 =	vmul.f32 v14, v7;
	v18 =	vld.idx.msk [tilespmem:v20+s3+$0x0], $0xffff  }
0x119: {  	[tilespmem:v21+s16+$0x0] =	vst.idx.add.f32.msk $0xffff, v12  }
0x11a: {  	[tilespmem:v17+s16+$0x0] =	vst.idx.add.f32.msk $0xffff, v7  }
0x11b: {  	v14 =	vor.u32 $0x100, v4;
	v9 =	vld.idx.msk [tilespmem:v13+s3+$0x0], $0xffff  }
0x11c: {  	v15 =	vor.u32 $0x100, v6;
	v23 =	vld.idx.msk [tilespmem:v22+s3+$0x0], $0xffff;
	v10 =	vmul.f32 v16, v3  }
0x11d: {  	v7 =	vor.u32 $0x180, v8;
	v16 =	vld.idx.msk [tilespmem:v5+s3+$0x0], $0xffff;
	v8 =	vmul.f32 v18, v3  }
0x11e: {  	[tilespmem:v20+s16+$0x0] =	vst.idx.add.f32.msk $0xffff, v10  }
0x11f: {  	[tilespmem:v19+s16+$0x0] =	vst.idx.add.f32.msk $0xffff, v8  }
0x120: {  	v19 =	vld.idx.msk [tilespmem:v14+s3+$0x0], $0xffff  }
0x121: {  	v24 =	vmul.f32 v9, v11;
	v18 =	vld.idx.msk [tilespmem:v15+s3+$0x0], $0xffff  }
0x122: {  	v12 =	vor.u32 $0x180, v21;
	v8 =	vor.u32 $0x100, v17;
	v9 =	vor.u32 $0x180, v17;
	v17 =	vld.idx.msk [tilespmem:v7+s3+$0x0], $0xffff  }
0x123: {  	s19 =	sadd.s32 $0x1, s19;
	s21 =	simm.s32 $0x2;
	s22 =	simm.s32 $0x18B50;
	v10 =	vor.u32 $0x100, v21;
	v20 =	vmul.f32 v23, v11;
	v16 =	vmul.f32 v16, v2;
	[tilespmem:v22+s16+$0x0] =	vst.idx.add.f32.msk $0xffff, v24  }
.LBB2_12:
0x124: {  	v21 =	vld [tilespmem:s22+$0x0]  }
0x125: {  	v23 =	vor.u32 $0x180, v4;
	v22 =	vld [tilespmem:s22+$0xFFFFFFF0]  }
0x126: {  	v4 =	vmul.f32 v19, v3;
	v19 =	vor.u32 $0x180, v6;
	[tilespmem:v13+s16+$0x0] =	vst.idx.add.f32.msk $0xffff, v20  }
0x127: {  	v6 =	vmul.f32 v18, v3;
	v20 =	vld.idx.msk [tilespmem:v8+s3+$0x0], $0xffff  }
0x128: {  	s21 =	sadd.s32 $0x2, s21;
	v13 =	vmul.f32 v17, v2;
	v2 =	vmov v11;
	[tilespmem:v15+s16+$0x0] =	vst.idx.add.f32.msk $0xffff, v4  }
0x129: {  	p0 =	slt.u32 s21, $0x26E;
	v4 =	vshrl.u32 v21, $0xE;
	v11 =	vshrl.u32 v21, $0xC;
	[tilespmem:v14+s16+$0x0] =	vst.idx.add.f32.msk $0xffff, v6  }
0x12a: {  	v4 =	vand.u32 $0x7F, v4;
	v6 =	vand.u32 $0xFFE00, v11;
	v11 =	vshll.u32 v21, $0x2;
	v14 =	vld.idx.msk [tilespmem:v23+s3+$0x0], $0xffff  }
0x12b: {  	v4 =	vor.u32 v4, v6;
	v6 =	vand.u32 $0x7F, v21;
	v11 =	vand.u32 $0xFE00, v11;
	v15 =	vld.idx.msk [tilespmem:v19+s3+$0x0], $0xffff  }
0x12c: {  	v17 =	vshrl.u32 v22, $0xE;
	v18 =	vshrl.u32 v22, $0xC;
	v6 =	vor.u32 v6, v11;
	v11 =	vld.idx.msk [tilespmem:v10+s3+$0x0], $0xffff  }
0x12d: {  	v17 =	vand.u32 $0x7F, v17;
	v18 =	vand.u32 $0xFFE00, v18;
	v21 =	vshll.u32 v22, $0x2;
	[tilespmem:v7+s16+$0x0] =	vst.idx.add.f32.msk $0xffff, v16;
	v7 =	vmovc v12  }
0x12e: {  	s20 =	sadd.s32 $0x20, s20;
	v16 =	vor.u32 v17, v18;
	v12 =	vand.u32 $0x7F, v22;
	v17 =	vand.u32 $0xFE00, v21;
	[tilespmem:v5+s16+$0x0] =	vst.idx.add.f32.msk $0xffff, v13;
	v5 =	vmovc v9  }
0x12f: {  	v17 =	vor.u32 v12, v17;
	v13 =	vor.u32 $0x80, v16;
	v18 =	vor.u32 $0x100, v16;
	v21 =	vld [tilespmem:s20+$0x0]  }
0x130: {  	v22 =	vor.u32 $0x80, v17;
	v24 =	vor.u32 $0x100, v17;
	v14 =	vmul.f32 v14, v3;
	v25 =	vld.idx.msk [tilespmem:v4+s3+$0x0], $0xffff  }
0x131: {  	v20 =	vmul.f32 v20, v2;
	v9 =	vor.u32 $0x180, v16;
	v27 =	vmul.f32 v15, v3;
	v26 =	vld.idx.msk [tilespmem:v6+s3+$0x0], $0xffff  }
0x132: {  	v12 =	vor.u32 $0x180, v17;
	v15 =	vmul.f32 v11, v2;
	[tilespmem:v19+s16+$0x0] =	vst.idx.add.f32.msk $0xffff, v14  }
0x133: {  	[tilespmem:v23+s16+$0x0] =	vst.idx.add.f32.msk $0xffff, v27  }
0x134: {  	v11 =	vld [tilespmem:s20+$0xFFFFFFF0];
	v14 =	vmul.f32 v21, v0;
	v3 =	vmov v21  }
0x135: {  	v21 =	vor.u32 $0x80, v4;
	v19 =	vld.idx.msk [tilespmem:v16+s3+$0x0], $0xffff  }
0x136: {  	v27 =	vor.u32 $0x80, v6;
	v23 =	vld.idx.msk [tilespmem:v17+s3+$0x0], $0xffff;
	v25 =	vmul.f32 v25, v14  }
0x137: {  	v14 =	vmul.f32 v26, v14;
	[tilespmem:v10+s16+$0x0] =	vst.idx.add.f32.msk $0xffff, v20;
	v10 =	vmov v24  }
0x138: {  	[tilespmem:v6+s16+$0x0] =	vst.idx.add.f32.msk $0xffff, v25  }
0x139: {  	v20 =	vmul.f32 v11, v0;
	[tilespmem:v4+s16+$0x0] =	vst.idx.add.f32.msk $0xffff, v14  }
0x13a: {  	v24 =	vld.idx.msk [tilespmem:v21+s3+$0x0], $0xffff  }
0x13b: {  	v14 =	vmul.f32 v19, v20;
	v19 =	vld.idx.msk [tilespmem:v27+s3+$0x0], $0xffff  }
0x13c: {  	v20 =	vmul.f32 v23, v20;
	[tilespmem:v8+s16+$0x0] =	vst.idx.add.f32.msk $0xffff, v15;
	v8 =	vmov v18  }
0x13d: {  	[tilespmem:v17+s16+$0x0] =	vst.idx.add.f32.msk $0xffff, v14  }
0x13e: {  	[tilespmem:v16+s16+$0x0] =	vst.idx.add.f32.msk $0xffff, v20  }
0x13f: {  	v14 =	vor.u32 $0x100, v4;
	v16 =	vld.idx.msk [tilespmem:v13+s3+$0x0], $0xffff  }
0x140: {  	v15 =	vor.u32 $0x100, v6;
	v18 =	vmul.f32 v24, v3;
	v17 =	vld.idx.msk [tilespmem:v22+s3+$0x0], $0xffff  }
0x141: {  	v19 =	vmul.f32 v19, v3;
	v23 =	vld.idx.msk [tilespmem:v5+s3+$0x0], $0xffff  }
0x142: {  	[tilespmem:v27+s16+$0x0] =	vst.idx.add.f32.msk $0xffff, v18  }
.Ltmp5:
0x143: {  	[tilespmem:v21+s16+$0x0] =	vst.idx.add.f32.msk $0xffff, v19;
	(pc) =	sbr.rel @p0 .LBB2_12-.Ltmp5, $4  }
0x144: {  	v19 =	vld.idx.msk [tilespmem:v14+s3+$0x0], $0xffff  }
0x145: {  	v16 =	vmul.f32 v16, v11;
	v18 =	vld.idx.msk [tilespmem:v15+s3+$0x0], $0xffff  }
0x146: {  	v20 =	vmul.f32 v17, v11;
	v17 =	vld.idx.msk [tilespmem:v7+s3+$0x0], $0xffff  }
0x147: {  	s22 =	sadd.s32 $0x20, s22;
	[tilespmem:v22+s16+$0x0] =	vst.idx.add.f32.msk $0xffff, v16;
	v16 =	vmul.f32 v23, v2  }
0x148: {  	_ =	sdelay $0x3  }
0x149: {  	[tilespmem:v13+s16+$0x0] =	vst.idx.add.f32.msk $0xffff, v20  }
0x14a: {  	v4 =	vor.u32 $0x180, v4;
	v13 =	vld.idx.msk [tilespmem:v8+s3+$0x0], $0xffff  }
0x14b: {  	v6 =	vor.u32 $0x180, v6;
	v19 =	vmul.f32 v19, v3;
	v20 =	vld.idx.msk [tilespmem:v10+s3+$0x0], $0xffff  }
0x14c: {  	v18 =	vmul.f32 v18, v3  }
0x14d: {  	[tilespmem:v15+s16+$0x0] =	vst.idx.add.f32.msk $0xffff, v19  }
0x14e: {  	[tilespmem:v14+s16+$0x0] =	vst.idx.add.f32.msk $0xffff, v18  }
0x14f: {  	v14 =	vld.idx.msk [tilespmem:v4+s3+$0x0], $0xffff;
	v13 =	vmul.f32 v13, v11  }
0x150: {  	v15 =	vld.idx.msk [tilespmem:v6+s3+$0x0], $0xffff;
	v52 =	vmul.f32 v20, v11  }
0x151: {  	[tilespmem:v10+s16+$0x0] =	vst.idx.add.f32.msk $0xffff, v13  }
0x152: {  	[tilespmem:v8+s16+$0x0] =	vst.idx.add.f32.msk $0xffff, v52  }
0x153: {  	v8 =	vld.idx.msk [tilespmem:v9+s3+$0x0], $0xffff  }
0x154: {  	v10 =	vld.idx.msk [tilespmem:v12+s3+$0x0], $0xffff  }
0x155: {  	v2 =	vmul.f32 v17, v2  }
0x156: {  	[tilespmem:v7+s16+$0x0] =	vst.idx.add.f32.msk $0xffff, v16;
	v53 =	vmul.f32 v14, v3  }
0x157: {  	[tilespmem:v5+s16+$0x0] =	vst.idx.add.f32.msk $0xffff, v2;
	v2 =	vmul.f32 v15, v3  }
0x158: {  	[tilespmem:v6+s16+$0x0] =	vst.idx.add.f32.msk $0xffff, v53;
	v3 =	vmul.f32 v8, v11  }
0x159: {  	[tilespmem:v4+s16+$0x0] =	vst.idx.add.f32.msk $0xffff, v2;
	v2 =	vmul.f32 v10, v11  }
0x15a: {  	[tilespmem:v12+s16+$0x0] =	vst.idx.add.f32.msk $0xffff, v3  }
0x15b: {  	[tilespmem:v9+s16+$0x0] =	vst.idx.add.f32.msk $0xffff, v2  }
0x15c: {  	v2 =	vld [tilespmem:$0x1B200];
	_ =	sdelay $0x4  }
0x15d: {  	v3 =	vshrl.u32 v2, $0xE;
	v54 =	vshrl.u32 v2, $0xC  }
0x15e: {  	v55 =	vshll.u32 v2, $0x2;
	v3 =	vand.u32 $0x7F, v3;
	v4 =	vand.u32 $0xFFE00, v54  }
0x15f: {  	v2 =	vand.u32 $0x7F, v2;
	v56 =	vand.u32 $0xFE00, v55;
	v3 =	vor.u32 v3, v4  }
0x160: {  	v2 =	vor.u32 v2, v56;
	_ =	sdelay $0x1  }
0x161: {  	v57 =	vld [tilespmem:$0x1D980];
	_ =	sdelay $0x1  }
0x162: {  	v58 =	vld.idx.msk [tilespmem:v3+s3+$0x0], $0xffff  }
0x163: {  	v6 =	vld.idx.msk [tilespmem:v2+s3+$0x0], $0xffff;
	_ =	sdelay $0x1  }
0x164: {  	v59 =	vmul.f32 v57, v0  }
0x165: {  	v60 =	vor.u32 $0x80, v3  }
0x166: {  	v61 =	vor.u32 $0x80, v2;
	v5 =	vmul.f32 v58, v59  }
0x167: {  	v6 =	vmul.f32 v6, v59  }
0x168: {  	[tilespmem:v2+s16+$0x0] =	vst.idx.add.f32.msk $0xffff, v5  }
0x169: {  	[tilespmem:v3+s16+$0x0] =	vst.idx.add.f32.msk $0xffff, v6  }
0x16a: {  	v5 =	vld.idx.msk [tilespmem:v60+s3+$0x0], $0xffff  }
0x16b: {  	v6 =	vld.idx.msk [tilespmem:v61+s3+$0x0], $0xffff;
	_ =	sdelay $0x2  }
0x16c: {  	v62 =	vor.u32 $0x100, v3  }
0x16d: {  	v63 =	vor.u32 $0x100, v2;
	v5 =	vmul.f32 v5, v57  }
0x16e: {  	v6 =	vmul.f32 v6, v57  }
0x16f: {  	[tilespmem:v61+s16+$0x0] =	vst.idx.add.f32.msk $0xffff, v5  }
0x170: {  	[tilespmem:v60+s16+$0x0] =	vst.idx.add.f32.msk $0xffff, v6  }
0x171: {  	v5 =	vld.idx.msk [tilespmem:v62+s3+$0x0], $0xffff  }
0x172: {  	v6 =	vld.idx.msk [tilespmem:v63+s3+$0x0], $0xffff;
	_ =	sdelay $0x2  }
0x173: {  	v3 =	vor.u32 $0x180, v3  }
0x174: {  	v2 =	vor.u32 $0x180, v2;
	v5 =	vmul.f32 v5, v57  }
0x175: {  	v6 =	vmul.f32 v6, v57  }
0x176: {  	[tilespmem:v63+s16+$0x0] =	vst.idx.add.f32.msk $0xffff, v5  }
0x177: {  	[tilespmem:v62+s16+$0x0] =	vst.idx.add.f32.msk $0xffff, v6  }
0x178: {  	v5 =	vld.idx.msk [tilespmem:v3+s3+$0x0], $0xffff  }
0x179: {  	v6 =	vld.idx.msk [tilespmem:v2+s3+$0x0], $0xffff;
	_ =	sdelay $0x1  }
0x17a: {  	p0 =	sne.s32 s19, $0x10  }
.Ltmp6:
0x17b: {  	_ = 	snop;
	(pc) =	sbr.rel @p0 .LBB2_9-.Ltmp6, $4  }
0x17c: {  	v5 =	vmul.f32 v5, v57  }
0x17d: {  	v4 =	vmul.f32 v6, v57  }
0x17e: {  	[tilespmem:v2+s16+$0x0] =	vst.idx.add.f32.msk $0xffff, v5  }
0x17f: {  	[tilespmem:v3+s16+$0x0] =	vst.idx.add.f32.msk $0xffff, v4  }
0x180: {  	s18 =	sadd.s32 $0x1, s18  }
0x181: {  	p0 =	sne.s32 s18, s7  }
.Ltmp7:
0x182: {  	_ = 	snop;
	(pc) =	sbr.rel @p0 .LBB2_1-.Ltmp7, $4  }
0x183: {  	[hbm4b:s6+s8] =	stream.strided.scatter [tilespmem:s16], [sflag:$0x3], $0x9E00, s9, s8, $0x38;
	[tilespmem:$0x1DA00] =	vst v63  }
0x184: {  	_ =	swait.ge [sflag:s10], $0x9E00  }
0x185: {  	[sflag:s10] =	ssyncset.done $0x0  }
0x186: {  	[sflag:s10] =	ssyncadd.s32 $0xFFFF6200  }
0x187: {  	_ =	sfence.sel $0x180000  }
0x188: {  	[bflag:$0x0] =	sbarrier.arrive $0xFFFF  }
0x189: {  	p0 =	sne.s32 s1, $0x0;
	_ =	strace $0x9000004A  }
0x18a: {  	s0 =	sadd.s32 @!p0 $0x100000, s0;
	[bflag:$0x2] =	sbarrier.arrive $0xFFFF  }
0x18b: {  	[sflag:s0] =	ssyncadd.tile.s32 @!p0 $0x1;
	_ =	shalt  }
.Lfunc_end2:
_tile_overlayer_lowered:
.L_overlay_start_2:
0x18c: {  	(tag) =	ssettag $0x2  }
0x18d: {  	s0 =	rddreg [dreg:$0x0];
	s2 =	stileid.u32  }
0x18e: {  	s1 =	rddreg [dreg:$0x1];
	p0 =	sne.s32 s2, $0x0  }
0x18f: {  	s3 =	rddreg [dreg:$0x2];
	[bflag:$0x3] =	sbarrier.arrive $0xFFFF;
	s2 =	simm.s32 @!p0 $0x1C03  }
0x190: {  	[timem:s3], [sflag:s2] =	dma.local @!p0 [hbm:s0], s1  }
0x191: {  	s0 =	simm.s32 @!p0 $0x3  }
0x192: {  	_ =	swait.ge @!p0 [sflag:s0], s1  }
0x193: {  	s1 =	ssub.s32 @!p0 $0x0, s1;
	[sflag:s0] =	ssyncset.done @!p0 $0x0  }
0x194: {  	[sflag:s0] =	ssyncadd.s32 @!p0 s1  }
0x195: {  	[bflag:$0x3] =	sbarrier.arrive $0xFFFF  }
0x196: {  	_ =	shalt  }

</sc_bundles>
